<compile_context>
chip_gen: v7x
topology: tpu7x:2x2x1
jax: 0.10.2.dev20260603
libtpu: 0.0.44.dev20260713+nightly
codegen_flags: <defaults>
</compile_context>

<pallas_src>
import functools

import jax
import jax.numpy as jnp
from jax import lax
from jax.experimental import pallas as pl
from jax.experimental.pallas import tpu as pltpu
from jax.experimental.pallas import tpu_sc as plsc

NUM_CAT = 26
NUM_CONT = 13
V = 100000
D = 16
B = 16384
H1 = 64
H2 = 32
N = B * NUM_CAT


def _make_sc_gather():
    NC, NS, L = 2, 16, 16
    NW = NC * NS
    PW = N // NW
    SUB = 8
    G = 128
    ROWS = SUB * G
    MC = PW // ROWS
    PERIOD = 13

    mesh = plsc.VectorSubcoreMesh(
        core_axis_name="c", subcore_axis_name="s",
        num_cores=NC, num_subcores=NS)

    @functools.partial(
        pl.kernel,
        mesh=mesh,
        out_type=(
            jax.ShapeDtypeStruct((N, D), jnp.float32),
            jax.ShapeDtypeStruct((N,), jnp.float32),
        ),
        scratch_types=[
            pltpu.VMEM((PW,), jnp.int32),
            pltpu.VMEM((ROWS, D), jnp.float32),
            pltpu.VMEM((ROWS,), jnp.float32),
            pltpu.SemaphoreType.DMA,
            pltpu.SemaphoreType.DMA,
        ],
        compiler_params=pltpu.CompilerParams(use_tc_tiling_on_sc=False),
    )
    def sc_gather(idx_hbm, tab_hbm, lin_hbm, emb_out, lin_out,
                  idxv, rowsv, linv, sem_e, sem_l):
        wid = lax.axis_index("s") * NC + lax.axis_index("c")
        base = wid * PW
        pltpu.sync_copy(idx_hbm.at[pl.ds(base, PW)], idxv)

        iota = lax.iota(jnp.int32, L)
        offs = [((iota + r * L) % NUM_CAT) * VP for r in range(PERIOD)]

        def add_offsets(g, carry):
            for r in range(PERIOD):
                p = g * (PERIOD * L) + r * L
                idxv[pl.ds(p, L)] = idxv[pl.ds(p, L)] + offs[r]
            return carry

        lax.fori_loop(0, PW // (PERIOD * L), add_offsets, 0)

        def chunk(m, carry):
            cps = []
            for s in range(SUB):
                isl = idxv.at[pl.ds(m * ROWS + s * G, G)]
                cps.append(pltpu.async_copy(
                    tab_hbm.at[isl], rowsv.at[pl.ds(s * G, G)], sem_e))
                cps.append(pltpu.async_copy(
                    lin_hbm.at[isl], linv.at[pl.ds(s * G, G)], sem_l))
            for cp in cps:
                cp.wait()
            pltpu.sync_copy(rowsv, emb_out.at[pl.ds(base + m * ROWS, ROWS)])
            pltpu.sync_copy(linv, lin_out.at[pl.ds(base + m * ROWS, ROWS)])
            return carry

        lax.fori_loop(0, MC, chunk, 0)

    return sc_gather


@functools.lru_cache(maxsize=1)
def _get_sc_gather():
    return _make_sc_gather()


_TILE = 1024
_CD = NUM_CAT * D
_KD = NUM_CONT * D

_VC = 1280
_NCH = -(-V // _VC)
_RC = _VC // 8
_PRP = _NCH * _RC
VP = _PRP * 128 // D


def _interleave(t, rc):
    t3 = jnp.tile(t.T, (1, 8)).reshape(rc, 8, 128)
    lane = lax.broadcasted_iota(jnp.int32, (rc, 128), 1)
    acc = jnp.zeros((rc, 128), jnp.float32)
    for k in range(8):
        acc = jnp.where(lane // D == k, t3[:, k, :], acc)
    return acc


def _transpose_body(in_ref, out_ref):
    out_ref[...] = _interleave(in_ref[...], _RC)[None]


_tc_transpose = pl.pallas_call(
    _transpose_body,
    grid=(NUM_CAT, 78),
    in_specs=[pl.BlockSpec((D, _VC), lambda f, c: (f, c))],
    out_specs=pl.BlockSpec((1, _RC, 128), lambda f, c: (f, c, 0)),
    out_shape=jax.ShapeDtypeStruct((NUM_CAT, _PRP, 128), jnp.float32),
    compiler_params=pltpu.CompilerParams(
        dimension_semantics=("arbitrary", "arbitrary")),
)

_TV = V - 78 * _VC
_TRC = _TV // 8


def _tail_body(z_ref, in_ref, out_ref):
    del z_ref
    acc = _interleave(in_ref[...], _TRC)
    out_ref[...] = jnp.concatenate(
        [acc, jnp.zeros((4, 128), jnp.float32)], axis=0)[None]


_tc_tail = pl.pallas_call(
    _tail_body,
    grid=(NUM_CAT,),
    in_specs=[pl.BlockSpec(memory_space=pl.ANY),
              pl.BlockSpec((D, _TV), lambda f: (f, 0))],
    out_specs=pl.BlockSpec((1, 24, 128), lambda f: (f, 12480 // 24, 0)),
    out_shape=jax.ShapeDtypeStruct((NUM_CAT, _PRP, 128), jnp.float32),
    input_output_aliases={0: 0},
    compiler_params=pltpu.CompilerParams(
        dimension_semantics=("parallel",)),
)


def _tc_a_body(ce_ref, cont_ref, catl_ref, w1_ref, b1_ref, cw_ref, cwf_ref,
               clw_ref, clb_ref, fmb_ref, h1_ref, s_ref):
    ce = ce_ref[...]
    cont = cont_ref[...]
    cw = cw_ref[...]

    rows = lax.broadcasted_iota(jnp.int32, (_CD, D), 0)
    cols = lax.broadcasted_iota(jnp.int32, (_CD, D), 1)
    S = (rows % D == cols).astype(jnp.float32)

    sum_emb = jnp.dot(ce, S, preferred_element_type=jnp.float32) \
        + jnp.dot(cont, cw, preferred_element_type=jnp.float32)
    sum_sq = jnp.dot(ce * ce, S, preferred_element_type=jnp.float32) \
        + jnp.dot(cont * cont, cw * cw, preferred_element_type=jnp.float32)
    fm = 0.5 * jnp.sum(sum_emb * sum_emb - sum_sq, axis=1, keepdims=True)

    lin = jnp.sum(catl_ref[...], axis=1, keepdims=True) \
        + jnp.sum(cont * clw_ref[...] + clb_ref[...], axis=1, keepdims=True) \
        + fmb_ref[...]
    s_ref[...] = lin + fm

    W1 = w1_ref[...]
    W1cat = W1[:_CD, :]
    W1cont = W1[_CD:, :]
    grows = lax.broadcasted_iota(jnp.int32, (NUM_CONT, _KD), 0)
    gcols = lax.broadcasted_iota(jnp.int32, (NUM_CONT, _KD), 1)
    Gm = (gcols // D == grows).astype(jnp.float32)
    Wc = jnp.dot(Gm, cwf_ref[...] * W1cont, preferred_element_type=jnp.float32)
    h1 = jnp.dot(ce, W1cat, preferred_element_type=jnp.float32) \
        + jnp.dot(cont, Wc, preferred_element_type=jnp.float32) + b1_ref[...]
    h1_ref[...] = h1


_tc_a = pl.pallas_call(
    _tc_a_body,
    grid=(B // _TILE,),
    in_specs=[
        pl.BlockSpec((_TILE, _CD), lambda i: (i, 0)),
        pl.BlockSpec((_TILE, NUM_CONT), lambda i: (i, 0)),
        pl.BlockSpec((_TILE, NUM_CAT), lambda i: (i, 0)),
        pl.BlockSpec(((NUM_CAT + NUM_CONT) * D, H1), lambda i: (0, 0)),
        pl.BlockSpec((1, H1), lambda i: (0, 0)),
        pl.BlockSpec((NUM_CONT, D), lambda i: (0, 0)),
        pl.BlockSpec((_KD, 1), lambda i: (0, 0)),
        pl.BlockSpec((1, NUM_CONT), lambda i: (0, 0)),
        pl.BlockSpec((1, NUM_CONT), lambda i: (0, 0)),
        pl.BlockSpec((1, 1), lambda i: (0, 0)),
    ],
    out_specs=[
        pl.BlockSpec((_TILE, H1), lambda i: (i, 0)),
        pl.BlockSpec((_TILE, 1), lambda i: (i, 0)),
    ],
    out_shape=[
        jax.ShapeDtypeStruct((B, H1), jnp.float32),
        jax.ShapeDtypeStruct((B, 1), jnp.float32),
    ],
    compiler_params=pltpu.CompilerParams(
        dimension_semantics=("parallel",)),
)


def _bn_kernel(h, g, b):
    m = jnp.mean(h, axis=0, keepdims=True)
    v = jnp.mean((h - m) ** 2, axis=0, keepdims=True)
    return (h - m) / jnp.sqrt(v + 1e-5) * g + b


def _tc_b_body(h1_ref, s_ref, g1_ref, be1_ref, w2_ref, b2_ref, g2_ref,
               be2_ref, w3_ref, b3_ref, out_ref):
    h = jnp.maximum(_bn_kernel(h1_ref[...], g1_ref[...], be1_ref[...]), 0.0)
    h = jnp.dot(h, w2_ref[...], preferred_element_type=jnp.float32) + b2_ref[...]
    h = jnp.maximum(_bn_kernel(h, g2_ref[...], be2_ref[...]), 0.0)
    dnn = jnp.dot(h, w3_ref[...], preferred_element_type=jnp.float32) + b3_ref[...]
    z = s_ref[...] + dnn
    out_ref[...] = 1.0 / (1.0 + jnp.exp(-z))


_tc_b = pl.pallas_call(
    _tc_b_body,
    out_shape=jax.ShapeDtypeStruct((B, 1), jnp.float32),
)


def kernel(x, cat_tables, cont_w, cat_lin, cont_lin_w, cont_lin_b, fm_bias,
           W1, b1, g1, be1, W2, b2, g2, be2, W3, b3):
    idx = x[:, :NUM_CAT].astype(jnp.int32).reshape(-1)
    cont = x[:, NUM_CAT:]
    tab = jnp.pad(cat_tables.reshape(NUM_CAT, V * D),
                  ((0, 0), (0, (VP - V) * D))).reshape(NUM_CAT * VP, D)
    lint = cat_lin.reshape(NUM_CAT * V)

    emb_flat, catl_flat = _get_sc_gather()(idx, tab, lint)
    ce = emb_flat.reshape(B, _CD)
    catl = catl_flat.reshape(B, NUM_CAT)

    h1, s = _tc_a(ce, cont, catl, W1, b1.reshape(1, H1), cont_w,
                  cont_w.reshape(_KD, 1), cont_lin_w.reshape(1, NUM_CONT),
                  cont_lin_b.reshape(1, NUM_CONT), fm_bias.reshape(1, 1))
    return _tc_b(h1, s, g1.reshape(1, H1), be1.reshape(1, H1), W2,
                 b2.reshape(1, H2), g2.reshape(1, H2), be2.reshape(1, H2),
                 W3, b3.reshape(1, 1))

# --- scband reference (transcript-rebuilt; emitter-appended) ---
"""Pipeline reference for scband-deep-fm-30270929502981 (READ-ONLY COPY).

The authoritative reference and input builder live on the scoring server;
editing this copy changes nothing except your own understanding.
"""

import jax, jax.numpy as jnp
import numpy as np

NUM_CAT = 26
NUM_CONT = 13
V = 100000
D = 16
B = 16384
H1 = 64
H2 = 32
IN_DNN = (NUM_CAT + NUM_CONT) * D


def setup_inputs(seed: int = 0) -> dict:
    key = jax.random.key(seed)
    ks = jax.random.split(key, 20)
    cat_idx = jax.random.randint(ks[0], (B, NUM_CAT), 0, V).astype(jnp.float32)
    cont = jax.random.normal(ks[1], (B, NUM_CONT), dtype=jnp.float32)
    x = jnp.concatenate([cat_idx, cont], axis=1)
    cat_tables = jax.random.normal(ks[2], (NUM_CAT, V, D), dtype=jnp.float32) * 0.01
    cont_w = jax.random.normal(ks[3], (NUM_CONT, D), dtype=jnp.float32) * 0.1
    cat_lin = jax.random.normal(ks[4], (NUM_CAT, V), dtype=jnp.float32) * 0.01
    cont_lin_w = jax.random.normal(ks[5], (NUM_CONT,), dtype=jnp.float32) * 0.1
    cont_lin_b = jnp.zeros((NUM_CONT,), dtype=jnp.float32)
    fm_bias = jnp.zeros((1,), dtype=jnp.float32)
    W1 = jax.random.normal(ks[6], (IN_DNN, H1), dtype=jnp.float32) * 0.05
    b1 = jnp.zeros((H1,), dtype=jnp.float32)
    g1 = jnp.ones((H1,), dtype=jnp.float32)
    be1 = jnp.zeros((H1,), dtype=jnp.float32)
    W2 = jax.random.normal(ks[7], (H1, H2), dtype=jnp.float32) * 0.05
    b2 = jnp.zeros((H2,), dtype=jnp.float32)
    g2 = jnp.ones((H2,), dtype=jnp.float32)
    be2 = jnp.zeros((H2,), dtype=jnp.float32)
    W3 = jax.random.normal(ks[8], (H2, 1), dtype=jnp.float32) * 0.05
    b3 = jnp.zeros((1,), dtype=jnp.float32)
    return {"x": x, "cat_tables": cat_tables, "cont_w": cont_w, "cat_lin": cat_lin,
            "cont_lin_w": cont_lin_w, "cont_lin_b": cont_lin_b, "fm_bias": fm_bias,
            "W1": W1, "b1": b1, "g1": g1, "be1": be1,
            "W2": W2, "b2": b2, "g2": g2, "be2": be2,
            "W3": W3, "b3": b3}


def _bn(h, g, b):
    m = jnp.mean(h, axis=0)
    v = jnp.mean((h - m) ** 2, axis=0)
    return (h - m) / jnp.sqrt(v + 1e-5) * g + b


def reference(x, cat_tables, cont_w, cat_lin, cont_lin_w, cont_lin_b, fm_bias,
              W1, b1, g1, be1, W2, b2, g2, be2, W3, b3):
    idx = jax.lax.stop_gradient(x[:, :NUM_CAT]).astype(jnp.int32)
    cont = x[:, NUM_CAT:]
    f = jnp.arange(NUM_CAT)[None, :]
    cat_emb = cat_tables[f, idx]                      # [B, 26, D] gather
    cont_emb = cont[:, :, None] * cont_w[None, :, :]  # [B, 13, D]
    emb = jnp.concatenate([cat_emb, cont_emb], axis=1)  # [B, 39, D]
    square_of_sum = jnp.sum(emb, axis=1) ** 2
    sum_of_square = jnp.sum(emb ** 2, axis=1)
    fm = 0.5 * jnp.sum(square_of_sum - sum_of_square, axis=1, keepdims=True)
    cat_l = cat_lin[f, idx]                           # [B, 26] gather
    cont_l = cont * cont_lin_w[None, :] + cont_lin_b[None, :]
    lin = (jnp.sum(cat_l, axis=1) + jnp.sum(cont_l, axis=1))[:, None] + fm_bias
    h = emb.reshape(emb.shape[0], -1)
    h = jax.nn.relu(_bn(h @ W1 + b1, g1, be1))
    h = jax.nn.relu(_bn(h @ W2 + b2, g2, be2))
    dnn = h @ W3 + b3
    return jax.nn.sigmoid(lin + fm + dnn)

if __name__ == "__main__":
    import jax
    _d = setup_inputs()
    print(jax.jit(kernel)(*tuple(_d.values())))

</pallas_src>

<mosaic_0001>
#map = affine_map<(d0, d1) -> (0)>
#map1 = affine_map<(d0, d1) -> (0, 0)>
module attributes {stable_mosaic.version = 14 : i64} {
  func.func @sc_gather(%arg0: i32, %arg1: i32, %arg2: memref<425984xi32, #tpu.memory_space<hbm>>, %arg3: memref<2629120x16xf32, #tpu.memory_space<hbm>>, %arg4: memref<2600000xf32, #tpu.memory_space<hbm>>, %arg5: memref<425984x16xf32, #tpu.memory_space<hbm>>, %arg6: memref<425984xf32, #tpu.memory_space<hbm>>, %arg7: memref<13312xi32, #tpu.memory_space<vmem>>, %arg8: memref<1024x16xf32, #tpu.memory_space<vmem>>, %arg9: memref<1024xf32, #tpu.memory_space<vmem>>, %arg10: memref<!tpu.dma_semaphore, #tpu.memory_space<semaphore_mem>>, %arg11: memref<!tpu.dma_semaphore, #tpu.memory_space<semaphore_mem>>) attributes {dimension_semantics = [#tpu.dimension_semantics<core_parallel>, #tpu.dimension_semantics<subcore_parallel>], iteration_bounds = array<i64: 2, 16>, scalar_prefetch = 0 : i64, scratch_operands = 5 : i64, tpu.core_type = #tpu.core_type<sc_vector_subcore>, window_params = [{transform_indices = #map}, {transform_indices = #map1}, {transform_indices = #map}, {transform_indices = #map1}, {transform_indices = #map}]} {
    %mul3A = arith.constant 2 : i32
    %mul3A_0 = arith.muli %arg1, %mul3A : i32
    %add3A = arith.addi %mul3A_0, %arg0 : i32
    %mul3A_1 = arith.constant 13312 : i32
    %mul3A_2 = arith.muli %add3A, %mul3A_1 : i32
    "tpu.region"() ({
      %run_scoped3A = tpu.sem_alloc : memref<!tpu.dma_semaphore, #tpu.memory_space<semaphore_mem>>
      %dma_start3A = tpu.memref_slice %arg2[%mul3A_2] : memref<425984xi32, #tpu.memory_space<hbm>> -> memref<13312xi32, #tpu.memory_space<hbm>>
      %dma_start3A_371 = tpu.memref_slice %arg2[%mul3A_2] : memref<425984xi32, #tpu.memory_space<hbm>> -> memref<13312xi32, #tpu.memory_space<hbm>>
      tpu.enqueue_dma source(%dma_start3A_371 : memref<13312xi32, #tpu.memory_space<hbm>>) target(%arg7 : memref<13312xi32, #tpu.memory_space<vmem>>) target_semaphore(%run_scoped3A : memref<!tpu.dma_semaphore, #tpu.memory_space<semaphore_mem>>)
      %dma_wait3A = tpu.memref_slice %arg2[%mul3A_2] : memref<425984xi32, #tpu.memory_space<hbm>> -> memref<13312xi32, #tpu.memory_space<hbm>>
      %dma_wait3A_372 = tpu.memref_slice %arg2[%mul3A_2] : memref<425984xi32, #tpu.memory_space<hbm>> -> memref<13312xi32, #tpu.memory_space<hbm>>
      tpu.wait_dma2 semaphore(%run_scoped3A : memref<!tpu.dma_semaphore, #tpu.memory_space<semaphore_mem>>) src(%dma_wait3A_372 : memref<13312xi32, #tpu.memory_space<hbm>>) dst(%arg7 : memref<13312xi32, #tpu.memory_space<vmem>>)
      tpu.yield
    }) : () -> ()
    %iota3A = tpu.iota {dimensions = array<i32: 0>} : vector<16xi32>
    %add3A_3 = arith.constant 0 : i32
    %add3A_4 = vector.broadcast %add3A_3 : i32 to vector<16xi32>
    %add3A_5 = arith.addi %iota3A, %add3A_4 : vector<16xi32>
    %jit3A = arith.constant 26 : i32
    %eq3A = arith.constant 0 : i32
    %eq3A_6 = arith.cmpi eq, %jit3A, %eq3A : i32
    %jit3A_7 = arith.constant 1 : i32
    %select_n3A = arith.select %eq3A_6, %jit3A_7, %jit3A : i32
    %rem3A = vector.broadcast %select_n3A : i32 to vector<16xi32>
    %rem3A_8 = arith.remsi %add3A_5, %rem3A : vector<16xi32>
    %ne3A = arith.constant 0 : i32
    %ne3A_9 = vector.broadcast %ne3A : i32 to vector<16xi32>
    %ne3A_10 = arith.cmpi ne, %rem3A_8, %ne3A_9 : vector<16xi32>
    %lt3A = arith.constant 0 : i32
    %lt3A_11 = vector.broadcast %lt3A : i32 to vector<16xi32>
    %lt3A_12 = arith.cmpi slt, %rem3A_8, %lt3A_11 : vector<16xi32>
    %lt3A_13 = arith.constant 0 : i32
    %lt3A_14 = arith.cmpi slt, %select_n3A, %lt3A_13 : i32
    %ne3A_15 = vector.broadcast %lt3A_14 : i1 to vector<16xi1>
    %ne3A_16 = vector.broadcast %ne3A_15 : vector<16xi1> to vector<16xi1>
    %ne3A_17 = arith.xori %lt3A_12, %ne3A_16 : vector<16xi1>
    %and3A = arith.andi %ne3A_17, %ne3A_10 : vector<16xi1>
    %add3A_18 = vector.broadcast %select_n3A : i32 to vector<16xi32>
    %add3A_19 = arith.addi %rem3A_8, %add3A_18 : vector<16xi32>
    %select_n3A_20 = arith.select %and3A, %add3A_19, %rem3A_8 : vector<16xi1>, vector<16xi32>
    %mul3A_21 = arith.constant 101120 : i32
    %mul3A_22 = vector.broadcast %mul3A_21 : i32 to vector<16xi32>
    %mul3A_23 = arith.muli %select_n3A_20, %mul3A_22 : vector<16xi32>
    %add3A_24 = arith.constant 16 : i32
    %add3A_25 = vector.broadcast %add3A_24 : i32 to vector<16xi32>
    %add3A_26 = arith.addi %iota3A, %add3A_25 : vector<16xi32>
    %jit3A_27 = arith.constant 26 : i32
    %eq3A_28 = arith.constant 0 : i32
    %eq3A_29 = arith.cmpi eq, %jit3A_27, %eq3A_28 : i32
    %jit3A_30 = arith.constant 1 : i32
    %select_n3A_31 = arith.select %eq3A_29, %jit3A_30, %jit3A_27 : i32
    %rem3A_32 = vector.broadcast %select_n3A_31 : i32 to vector<16xi32>
    %rem3A_33 = arith.remsi %add3A_26, %rem3A_32 : vector<16xi32>
    %ne3A_34 = arith.constant 0 : i32
    %ne3A_35 = vector.broadcast %ne3A_34 : i32 to vector<16xi32>
    %ne3A_36 = arith.cmpi ne, %rem3A_33, %ne3A_35 : vector<16xi32>
    %lt3A_37 = arith.constant 0 : i32
    %lt3A_38 = vector.broadcast %lt3A_37 : i32 to vector<16xi32>
    %lt3A_39 = arith.cmpi slt, %rem3A_33, %lt3A_38 : vector<16xi32>
    %lt3A_40 = arith.constant 0 : i32
    %lt3A_41 = arith.cmpi slt, %select_n3A_31, %lt3A_40 : i32
    %ne3A_42 = vector.broadcast %lt3A_41 : i1 to vector<16xi1>
    %ne3A_43 = vector.broadcast %ne3A_42 : vector<16xi1> to vector<16xi1>
    %ne3A_44 = arith.xori %lt3A_39, %ne3A_43 : vector<16xi1>
    %and3A_45 = arith.andi %ne3A_44, %ne3A_36 : vector<16xi1>
    %add3A_46 = vector.broadcast %select_n3A_31 : i32 to vector<16xi32>
    %add3A_47 = arith.addi %rem3A_33, %add3A_46 : vector<16xi32>
    %select_n3A_48 = arith.select %and3A_45, %add3A_47, %rem3A_33 : vector<16xi1>, vector<16xi32>
    %mul3A_49 = arith.constant 101120 : i32
    %mul3A_50 = vector.broadcast %mul3A_49 : i32 to vector<16xi32>
    %mul3A_51 = arith.muli %select_n3A_48, %mul3A_50 : vector<16xi32>
    %add3A_52 = arith.constant 32 : i32
    %add3A_53 = vector.broadcast %add3A_52 : i32 to vector<16xi32>
    %add3A_54 = arith.addi %iota3A, %add3A_53 : vector<16xi32>
    %jit3A_55 = arith.constant 26 : i32
    %eq3A_56 = arith.constant 0 : i32
    %eq3A_57 = arith.cmpi eq, %jit3A_55, %eq3A_56 : i32
    %jit3A_58 = arith.constant 1 : i32
    %select_n3A_59 = arith.select %eq3A_57, %jit3A_58, %jit3A_55 : i32
    %rem3A_60 = vector.broadcast %select_n3A_59 : i32 to vector<16xi32>
    %rem3A_61 = arith.remsi %add3A_54, %rem3A_60 : vector<16xi32>
    %ne3A_62 = arith.constant 0 : i32
    %ne3A_63 = vector.broadcast %ne3A_62 : i32 to vector<16xi32>
    %ne3A_64 = arith.cmpi ne, %rem3A_61, %ne3A_63 : vector<16xi32>
    %lt3A_65 = arith.constant 0 : i32
    %lt3A_66 = vector.broadcast %lt3A_65 : i32 to vector<16xi32>
    %lt3A_67 = arith.cmpi slt, %rem3A_61, %lt3A_66 : vector<16xi32>
    %lt3A_68 = arith.constant 0 : i32
    %lt3A_69 = arith.cmpi slt, %select_n3A_59, %lt3A_68 : i32
    %ne3A_70 = vector.broadcast %lt3A_69 : i1 to vector<16xi1>
    %ne3A_71 = vector.broadcast %ne3A_70 : vector<16xi1> to vector<16xi1>
    %ne3A_72 = arith.xori %lt3A_67, %ne3A_71 : vector<16xi1>
    %and3A_73 = arith.andi %ne3A_72, %ne3A_64 : vector<16xi1>
    %add3A_74 = vector.broadcast %select_n3A_59 : i32 to vector<16xi32>
    %add3A_75 = arith.addi %rem3A_61, %add3A_74 : vector<16xi32>
    %select_n3A_76 = arith.select %and3A_73, %add3A_75, %rem3A_61 : vector<16xi1>, vector<16xi32>
    %mul3A_77 = arith.constant 101120 : i32
    %mul3A_78 = vector.broadcast %mul3A_77 : i32 to vector<16xi32>
    %mul3A_79 = arith.muli %select_n3A_76, %mul3A_78 : vector<16xi32>
    %add3A_80 = arith.constant 48 : i32
    %add3A_81 = vector.broadcast %add3A_80 : i32 to vector<16xi32>
    %add3A_82 = arith.addi %iota3A, %add3A_81 : vector<16xi32>
    %jit3A_83 = arith.constant 26 : i32
    %eq3A_84 = arith.constant 0 : i32
    %eq3A_85 = arith.cmpi eq, %jit3A_83, %eq3A_84 : i32
    %jit3A_86 = arith.constant 1 : i32
    %select_n3A_87 = arith.select %eq3A_85, %jit3A_86, %jit3A_83 : i32
    %rem3A_88 = vector.broadcast %select_n3A_87 : i32 to vector<16xi32>
    %rem3A_89 = arith.remsi %add3A_82, %rem3A_88 : vector<16xi32>
    %ne3A_90 = arith.constant 0 : i32
    %ne3A_91 = vector.broadcast %ne3A_90 : i32 to vector<16xi32>
    %ne3A_92 = arith.cmpi ne, %rem3A_89, %ne3A_91 : vector<16xi32>
    %lt3A_93 = arith.constant 0 : i32
    %lt3A_94 = vector.broadcast %lt3A_93 : i32 to vector<16xi32>
    %lt3A_95 = arith.cmpi slt, %rem3A_89, %lt3A_94 : vector<16xi32>
    %lt3A_96 = arith.constant 0 : i32
    %lt3A_97 = arith.cmpi slt, %select_n3A_87, %lt3A_96 : i32
    %ne3A_98 = vector.broadcast %lt3A_97 : i1 to vector<16xi1>
    %ne3A_99 = vector.broadcast %ne3A_98 : vector<16xi1> to vector<16xi1>
    %ne3A_100 = arith.xori %lt3A_95, %ne3A_99 : vector<16xi1>
    %and3A_101 = arith.andi %ne3A_100, %ne3A_92 : vector<16xi1>
    %add3A_102 = vector.broadcast %select_n3A_87 : i32 to vector<16xi32>
    %add3A_103 = arith.addi %rem3A_89, %add3A_102 : vector<16xi32>
    %select_n3A_104 = arith.select %and3A_101, %add3A_103, %rem3A_89 : vector<16xi1>, vector<16xi32>
    %mul3A_105 = arith.constant 101120 : i32
    %mul3A_106 = vector.broadcast %mul3A_105 : i32 to vector<16xi32>
    %mul3A_107 = arith.muli %select_n3A_104, %mul3A_106 : vector<16xi32>
    %add3A_108 = arith.constant 64 : i32
    %add3A_109 = vector.broadcast %add3A_108 : i32 to vector<16xi32>
    %add3A_110 = arith.addi %iota3A, %add3A_109 : vector<16xi32>
    %jit3A_111 = arith.constant 26 : i32
    %eq3A_112 = arith.constant 0 : i32
    %eq3A_113 = arith.cmpi eq, %jit3A_111, %eq3A_112 : i32
    %jit3A_114 = arith.constant 1 : i32
    %select_n3A_115 = arith.select %eq3A_113, %jit3A_114, %jit3A_111 : i32
    %rem3A_116 = vector.broadcast %select_n3A_115 : i32 to vector<16xi32>
    %rem3A_117 = arith.remsi %add3A_110, %rem3A_116 : vector<16xi32>
    %ne3A_118 = arith.constant 0 : i32
    %ne3A_119 = vector.broadcast %ne3A_118 : i32 to vector<16xi32>
    %ne3A_120 = arith.cmpi ne, %rem3A_117, %ne3A_119 : vector<16xi32>
    %lt3A_121 = arith.constant 0 : i32
    %lt3A_122 = vector.broadcast %lt3A_121 : i32 to vector<16xi32>
    %lt3A_123 = arith.cmpi slt, %rem3A_117, %lt3A_122 : vector<16xi32>
    %lt3A_124 = arith.constant 0 : i32
    %lt3A_125 = arith.cmpi slt, %select_n3A_115, %lt3A_124 : i32
    %ne3A_126 = vector.broadcast %lt3A_125 : i1 to vector<16xi1>
    %ne3A_127 = vector.broadcast %ne3A_126 : vector<16xi1> to vector<16xi1>
    %ne3A_128 = arith.xori %lt3A_123, %ne3A_127 : vector<16xi1>
    %and3A_129 = arith.andi %ne3A_128, %ne3A_120 : vector<16xi1>
    %add3A_130 = vector.broadcast %select_n3A_115 : i32 to vector<16xi32>
    %add3A_131 = arith.addi %rem3A_117, %add3A_130 : vector<16xi32>
    %select_n3A_132 = arith.select %and3A_129, %add3A_131, %rem3A_117 : vector<16xi1>, vector<16xi32>
    %mul3A_133 = arith.constant 101120 : i32
    %mul3A_134 = vector.broadcast %mul3A_133 : i32 to vector<16xi32>
    %mul3A_135 = arith.muli %select_n3A_132, %mul3A_134 : vector<16xi32>
    %add3A_136 = arith.constant 80 : i32
    %add3A_137 = vector.broadcast %add3A_136 : i32 to vector<16xi32>
    %add3A_138 = arith.addi %iota3A, %add3A_137 : vector<16xi32>
    %jit3A_139 = arith.constant 26 : i32
    %eq3A_140 = arith.constant 0 : i32
    %eq3A_141 = arith.cmpi eq, %jit3A_139, %eq3A_140 : i32
    %jit3A_142 = arith.constant 1 : i32
    %select_n3A_143 = arith.select %eq3A_141, %jit3A_142, %jit3A_139 : i32
    %rem3A_144 = vector.broadcast %select_n3A_143 : i32 to vector<16xi32>
    %rem3A_145 = arith.remsi %add3A_138, %rem3A_144 : vector<16xi32>
    %ne3A_146 = arith.constant 0 : i32
    %ne3A_147 = vector.broadcast %ne3A_146 : i32 to vector<16xi32>
    %ne3A_148 = arith.cmpi ne, %rem3A_145, %ne3A_147 : vector<16xi32>
    %lt3A_149 = arith.constant 0 : i32
    %lt3A_150 = vector.broadcast %lt3A_149 : i32 to vector<16xi32>
    %lt3A_151 = arith.cmpi slt, %rem3A_145, %lt3A_150 : vector<16xi32>
    %lt3A_152 = arith.constant 0 : i32
    %lt3A_153 = arith.cmpi slt, %select_n3A_143, %lt3A_152 : i32
    %ne3A_154 = vector.broadcast %lt3A_153 : i1 to vector<16xi1>
    %ne3A_155 = vector.broadcast %ne3A_154 : vector<16xi1> to vector<16xi1>
    %ne3A_156 = arith.xori %lt3A_151, %ne3A_155 : vector<16xi1>
    %and3A_157 = arith.andi %ne3A_156, %ne3A_148 : vector<16xi1>
    %add3A_158 = vector.broadcast %select_n3A_143 : i32 to vector<16xi32>
    %add3A_159 = arith.addi %rem3A_145, %add3A_158 : vector<16xi32>
    %select_n3A_160 = arith.select %and3A_157, %add3A_159, %rem3A_145 : vector<16xi1>, vector<16xi32>
    %mul3A_161 = arith.constant 101120 : i32
    %mul3A_162 = vector.broadcast %mul3A_161 : i32 to vector<16xi32>
    %mul3A_163 = arith.muli %select_n3A_160, %mul3A_162 : vector<16xi32>
    %add3A_164 = arith.constant 96 : i32
    %add3A_165 = vector.broadcast %add3A_164 : i32 to vector<16xi32>
    %add3A_166 = arith.addi %iota3A, %add3A_165 : vector<16xi32>
    %jit3A_167 = arith.constant 26 : i32
    %eq3A_168 = arith.constant 0 : i32
    %eq3A_169 = arith.cmpi eq, %jit3A_167, %eq3A_168 : i32
    %jit3A_170 = arith.constant 1 : i32
    %select_n3A_171 = arith.select %eq3A_169, %jit3A_170, %jit3A_167 : i32
    %rem3A_172 = vector.broadcast %select_n3A_171 : i32 to vector<16xi32>
    %rem3A_173 = arith.remsi %add3A_166, %rem3A_172 : vector<16xi32>
    %ne3A_174 = arith.constant 0 : i32
    %ne3A_175 = vector.broadcast %ne3A_174 : i32 to vector<16xi32>
    %ne3A_176 = arith.cmpi ne, %rem3A_173, %ne3A_175 : vector<16xi32>
    %lt3A_177 = arith.constant 0 : i32
    %lt3A_178 = vector.broadcast %lt3A_177 : i32 to vector<16xi32>
    %lt3A_179 = arith.cmpi slt, %rem3A_173, %lt3A_178 : vector<16xi32>
    %lt3A_180 = arith.constant 0 : i32
    %lt3A_181 = arith.cmpi slt, %select_n3A_171, %lt3A_180 : i32
    %ne3A_182 = vector.broadcast %lt3A_181 : i1 to vector<16xi1>
    %ne3A_183 = vector.broadcast %ne3A_182 : vector<16xi1> to vector<16xi1>
    %ne3A_184 = arith.xori %lt3A_179, %ne3A_183 : vector<16xi1>
    %and3A_185 = arith.andi %ne3A_184, %ne3A_176 : vector<16xi1>
    %add3A_186 = vector.broadcast %select_n3A_171 : i32 to vector<16xi32>
    %add3A_187 = arith.addi %rem3A_173, %add3A_186 : vector<16xi32>
    %select_n3A_188 = arith.select %and3A_185, %add3A_187, %rem3A_173 : vector<16xi1>, vector<16xi32>
    %mul3A_189 = arith.constant 101120 : i32
    %mul3A_190 = vector.broadcast %mul3A_189 : i32 to vector<16xi32>
    %mul3A_191 = arith.muli %select_n3A_188, %mul3A_190 : vector<16xi32>
    %add3A_192 = arith.constant 112 : i32
    %add3A_193 = vector.broadcast %add3A_192 : i32 to vector<16xi32>
    %add3A_194 = arith.addi %iota3A, %add3A_193 : vector<16xi32>
    %jit3A_195 = arith.constant 26 : i32
    %eq3A_196 = arith.constant 0 : i32
    %eq3A_197 = arith.cmpi eq, %jit3A_195, %eq3A_196 : i32
    %jit3A_198 = arith.constant 1 : i32
    %select_n3A_199 = arith.select %eq3A_197, %jit3A_198, %jit3A_195 : i32
    %rem3A_200 = vector.broadcast %select_n3A_199 : i32 to vector<16xi32>
    %rem3A_201 = arith.remsi %add3A_194, %rem3A_200 : vector<16xi32>
    %ne3A_202 = arith.constant 0 : i32
    %ne3A_203 = vector.broadcast %ne3A_202 : i32 to vector<16xi32>
    %ne3A_204 = arith.cmpi ne, %rem3A_201, %ne3A_203 : vector<16xi32>
    %lt3A_205 = arith.constant 0 : i32
    %lt3A_206 = vector.broadcast %lt3A_205 : i32 to vector<16xi32>
    %lt3A_207 = arith.cmpi slt, %rem3A_201, %lt3A_206 : vector<16xi32>
    %lt3A_208 = arith.constant 0 : i32
    %lt3A_209 = arith.cmpi slt, %select_n3A_199, %lt3A_208 : i32
    %ne3A_210 = vector.broadcast %lt3A_209 : i1 to vector<16xi1>
    %ne3A_211 = vector.broadcast %ne3A_210 : vector<16xi1> to vector<16xi1>
    %ne3A_212 = arith.xori %lt3A_207, %ne3A_211 : vector<16xi1>
    %and3A_213 = arith.andi %ne3A_212, %ne3A_204 : vector<16xi1>
    %add3A_214 = vector.broadcast %select_n3A_199 : i32 to vector<16xi32>
    %add3A_215 = arith.addi %rem3A_201, %add3A_214 : vector<16xi32>
    %select_n3A_216 = arith.select %and3A_213, %add3A_215, %rem3A_201 : vector<16xi1>, vector<16xi32>
    %mul3A_217 = arith.constant 101120 : i32
    %mul3A_218 = vector.broadcast %mul3A_217 : i32 to vector<16xi32>
    %mul3A_219 = arith.muli %select_n3A_216, %mul3A_218 : vector<16xi32>
    %add3A_220 = arith.constant 128 : i32
    %add3A_221 = vector.broadcast %add3A_220 : i32 to vector<16xi32>
    %add3A_222 = arith.addi %iota3A, %add3A_221 : vector<16xi32>
    %jit3A_223 = arith.constant 26 : i32
    %eq3A_224 = arith.constant 0 : i32
    %eq3A_225 = arith.cmpi eq, %jit3A_223, %eq3A_224 : i32
    %jit3A_226 = arith.constant 1 : i32
    %select_n3A_227 = arith.select %eq3A_225, %jit3A_226, %jit3A_223 : i32
    %rem3A_228 = vector.broadcast %select_n3A_227 : i32 to vector<16xi32>
    %rem3A_229 = arith.remsi %add3A_222, %rem3A_228 : vector<16xi32>
    %ne3A_230 = arith.constant 0 : i32
    %ne3A_231 = vector.broadcast %ne3A_230 : i32 to vector<16xi32>
    %ne3A_232 = arith.cmpi ne, %rem3A_229, %ne3A_231 : vector<16xi32>
    %lt3A_233 = arith.constant 0 : i32
    %lt3A_234 = vector.broadcast %lt3A_233 : i32 to vector<16xi32>
    %lt3A_235 = arith.cmpi slt, %rem3A_229, %lt3A_234 : vector<16xi32>
    %lt3A_236 = arith.constant 0 : i32
    %lt3A_237 = arith.cmpi slt, %select_n3A_227, %lt3A_236 : i32
    %ne3A_238 = vector.broadcast %lt3A_237 : i1 to vector<16xi1>
    %ne3A_239 = vector.broadcast %ne3A_238 : vector<16xi1> to vector<16xi1>
    %ne3A_240 = arith.xori %lt3A_235, %ne3A_239 : vector<16xi1>
    %and3A_241 = arith.andi %ne3A_240, %ne3A_232 : vector<16xi1>
    %add3A_242 = vector.broadcast %select_n3A_227 : i32 to vector<16xi32>
    %add3A_243 = arith.addi %rem3A_229, %add3A_242 : vector<16xi32>
    %select_n3A_244 = arith.select %and3A_241, %add3A_243, %rem3A_229 : vector<16xi1>, vector<16xi32>
    %mul3A_245 = arith.constant 101120 : i32
    %mul3A_246 = vector.broadcast %mul3A_245 : i32 to vector<16xi32>
    %mul3A_247 = arith.muli %select_n3A_244, %mul3A_246 : vector<16xi32>
    %add3A_248 = arith.constant 144 : i32
    %add3A_249 = vector.broadcast %add3A_248 : i32 to vector<16xi32>
    %add3A_250 = arith.addi %iota3A, %add3A_249 : vector<16xi32>
    %jit3A_251 = arith.constant 26 : i32
    %eq3A_252 = arith.constant 0 : i32
    %eq3A_253 = arith.cmpi eq, %jit3A_251, %eq3A_252 : i32
    %jit3A_254 = arith.constant 1 : i32
    %select_n3A_255 = arith.select %eq3A_253, %jit3A_254, %jit3A_251 : i32
    %rem3A_256 = vector.broadcast %select_n3A_255 : i32 to vector<16xi32>
    %rem3A_257 = arith.remsi %add3A_250, %rem3A_256 : vector<16xi32>
    %ne3A_258 = arith.constant 0 : i32
    %ne3A_259 = vector.broadcast %ne3A_258 : i32 to vector<16xi32>
    %ne3A_260 = arith.cmpi ne, %rem3A_257, %ne3A_259 : vector<16xi32>
    %lt3A_261 = arith.constant 0 : i32
    %lt3A_262 = vector.broadcast %lt3A_261 : i32 to vector<16xi32>
    %lt3A_263 = arith.cmpi slt, %rem3A_257, %lt3A_262 : vector<16xi32>
    %lt3A_264 = arith.constant 0 : i32
    %lt3A_265 = arith.cmpi slt, %select_n3A_255, %lt3A_264 : i32
    %ne3A_266 = vector.broadcast %lt3A_265 : i1 to vector<16xi1>
    %ne3A_267 = vector.broadcast %ne3A_266 : vector<16xi1> to vector<16xi1>
    %ne3A_268 = arith.xori %lt3A_263, %ne3A_267 : vector<16xi1>
    %and3A_269 = arith.andi %ne3A_268, %ne3A_260 : vector<16xi1>
    %add3A_270 = vector.broadcast %select_n3A_255 : i32 to vector<16xi32>
    %add3A_271 = arith.addi %rem3A_257, %add3A_270 : vector<16xi32>
    %select_n3A_272 = arith.select %and3A_269, %add3A_271, %rem3A_257 : vector<16xi1>, vector<16xi32>
    %mul3A_273 = arith.constant 101120 : i32
    %mul3A_274 = vector.broadcast %mul3A_273 : i32 to vector<16xi32>
    %mul3A_275 = arith.muli %select_n3A_272, %mul3A_274 : vector<16xi32>
    %add3A_276 = arith.constant 160 : i32
    %add3A_277 = vector.broadcast %add3A_276 : i32 to vector<16xi32>
    %add3A_278 = arith.addi %iota3A, %add3A_277 : vector<16xi32>
    %jit3A_279 = arith.constant 26 : i32
    %eq3A_280 = arith.constant 0 : i32
    %eq3A_281 = arith.cmpi eq, %jit3A_279, %eq3A_280 : i32
    %jit3A_282 = arith.constant 1 : i32
    %select_n3A_283 = arith.select %eq3A_281, %jit3A_282, %jit3A_279 : i32
    %rem3A_284 = vector.broadcast %select_n3A_283 : i32 to vector<16xi32>
    %rem3A_285 = arith.remsi %add3A_278, %rem3A_284 : vector<16xi32>
    %ne3A_286 = arith.constant 0 : i32
    %ne3A_287 = vector.broadcast %ne3A_286 : i32 to vector<16xi32>
    %ne3A_288 = arith.cmpi ne, %rem3A_285, %ne3A_287 : vector<16xi32>
    %lt3A_289 = arith.constant 0 : i32
    %lt3A_290 = vector.broadcast %lt3A_289 : i32 to vector<16xi32>
    %lt3A_291 = arith.cmpi slt, %rem3A_285, %lt3A_290 : vector<16xi32>
    %lt3A_292 = arith.constant 0 : i32
    %lt3A_293 = arith.cmpi slt, %select_n3A_283, %lt3A_292 : i32
    %ne3A_294 = vector.broadcast %lt3A_293 : i1 to vector<16xi1>
    %ne3A_295 = vector.broadcast %ne3A_294 : vector<16xi1> to vector<16xi1>
    %ne3A_296 = arith.xori %lt3A_291, %ne3A_295 : vector<16xi1>
    %and3A_297 = arith.andi %ne3A_296, %ne3A_288 : vector<16xi1>
    %add3A_298 = vector.broadcast %select_n3A_283 : i32 to vector<16xi32>
    %add3A_299 = arith.addi %rem3A_285, %add3A_298 : vector<16xi32>
    %select_n3A_300 = arith.select %and3A_297, %add3A_299, %rem3A_285 : vector<16xi1>, vector<16xi32>
    %mul3A_301 = arith.constant 101120 : i32
    %mul3A_302 = vector.broadcast %mul3A_301 : i32 to vector<16xi32>
    %mul3A_303 = arith.muli %select_n3A_300, %mul3A_302 : vector<16xi32>
    %add3A_304 = arith.constant 176 : i32
    %add3A_305 = vector.broadcast %add3A_304 : i32 to vector<16xi32>
    %add3A_306 = arith.addi %iota3A, %add3A_305 : vector<16xi32>
    %jit3A_307 = arith.constant 26 : i32
    %eq3A_308 = arith.constant 0 : i32
    %eq3A_309 = arith.cmpi eq, %jit3A_307, %eq3A_308 : i32
    %jit3A_310 = arith.constant 1 : i32
    %select_n3A_311 = arith.select %eq3A_309, %jit3A_310, %jit3A_307 : i32
    %rem3A_312 = vector.broadcast %select_n3A_311 : i32 to vector<16xi32>
    %rem3A_313 = arith.remsi %add3A_306, %rem3A_312 : vector<16xi32>
    %ne3A_314 = arith.constant 0 : i32
    %ne3A_315 = vector.broadcast %ne3A_314 : i32 to vector<16xi32>
    %ne3A_316 = arith.cmpi ne, %rem3A_313, %ne3A_315 : vector<16xi32>
    %lt3A_317 = arith.constant 0 : i32
    %lt3A_318 = vector.broadcast %lt3A_317 : i32 to vector<16xi32>
    %lt3A_319 = arith.cmpi slt, %rem3A_313, %lt3A_318 : vector<16xi32>
    %lt3A_320 = arith.constant 0 : i32
    %lt3A_321 = arith.cmpi slt, %select_n3A_311, %lt3A_320 : i32
    %ne3A_322 = vector.broadcast %lt3A_321 : i1 to vector<16xi1>
    %ne3A_323 = vector.broadcast %ne3A_322 : vector<16xi1> to vector<16xi1>
    %ne3A_324 = arith.xori %lt3A_319, %ne3A_323 : vector<16xi1>
    %and3A_325 = arith.andi %ne3A_324, %ne3A_316 : vector<16xi1>
    %add3A_326 = vector.broadcast %select_n3A_311 : i32 to vector<16xi32>
    %add3A_327 = arith.addi %rem3A_313, %add3A_326 : vector<16xi32>
    %select_n3A_328 = arith.select %and3A_325, %add3A_327, %rem3A_313 : vector<16xi1>, vector<16xi32>
    %mul3A_329 = arith.constant 101120 : i32
    %mul3A_330 = vector.broadcast %mul3A_329 : i32 to vector<16xi32>
    %mul3A_331 = arith.muli %select_n3A_328, %mul3A_330 : vector<16xi32>
    %add3A_332 = arith.constant 192 : i32
    %add3A_333 = vector.broadcast %add3A_332 : i32 to vector<16xi32>
    %add3A_334 = arith.addi %iota3A, %add3A_333 : vector<16xi32>
    %jit3A_335 = arith.constant 26 : i32
    %eq3A_336 = arith.constant 0 : i32
    %eq3A_337 = arith.cmpi eq, %jit3A_335, %eq3A_336 : i32
    %jit3A_338 = arith.constant 1 : i32
    %select_n3A_339 = arith.select %eq3A_337, %jit3A_338, %jit3A_335 : i32
    %rem3A_340 = vector.broadcast %select_n3A_339 : i32 to vector<16xi32>
    %rem3A_341 = arith.remsi %add3A_334, %rem3A_340 : vector<16xi32>
    %ne3A_342 = arith.constant 0 : i32
    %ne3A_343 = vector.broadcast %ne3A_342 : i32 to vector<16xi32>
    %ne3A_344 = arith.cmpi ne, %rem3A_341, %ne3A_343 : vector<16xi32>
    %lt3A_345 = arith.constant 0 : i32
    %lt3A_346 = vector.broadcast %lt3A_345 : i32 to vector<16xi32>
    %lt3A_347 = arith.cmpi slt, %rem3A_341, %lt3A_346 : vector<16xi32>
    %lt3A_348 = arith.constant 0 : i32
    %lt3A_349 = arith.cmpi slt, %select_n3A_339, %lt3A_348 : i32
    %ne3A_350 = vector.broadcast %lt3A_349 : i1 to vector<16xi1>
    %ne3A_351 = vector.broadcast %ne3A_350 : vector<16xi1> to vector<16xi1>
    %ne3A_352 = arith.xori %lt3A_347, %ne3A_351 : vector<16xi1>
    %and3A_353 = arith.andi %ne3A_352, %ne3A_344 : vector<16xi1>
    %add3A_354 = vector.broadcast %select_n3A_339 : i32 to vector<16xi32>
    %add3A_355 = arith.addi %rem3A_341, %add3A_354 : vector<16xi32>
    %select_n3A_356 = arith.select %and3A_353, %add3A_355, %rem3A_341 : vector<16xi1>, vector<16xi32>
    %mul3A_357 = arith.constant 101120 : i32
    %mul3A_358 = vector.broadcast %mul3A_357 : i32 to vector<16xi32>
    %mul3A_359 = arith.muli %select_n3A_356, %mul3A_358 : vector<16xi32>
    %scan3A = arith.constant 0 : i32
    %scan3A_360 = arith.constant 0 : i32
    %scan3A_361 = arith.constant 64 : i32
    %scan3A_362 = arith.addi %scan3A_360, %scan3A_361 : i32
    %scan3A_363 = arith.constant 1 : i32
    scf.for %scan3A_371 = %scan3A_360 to %scan3A_362 step %scan3A_363  : i32 {
      %mul3A_372 = arith.constant 208 : i32
      %mul3A_373 = arith.muli %scan3A_371, %mul3A_372 : i32
      %add3A_374 = arith.constant 0 : i32
      %add3A_375 = arith.addi %mul3A_373, %add3A_374 : i32
      %get3A = arith.index_cast %add3A_375 : i32 to index
      %get3A_376 = tpu.vector_load %arg7[%get3A] {strides = array<i32>} : memref<13312xi32, #tpu.memory_space<vmem>>, vector<16xi32>,
      %get3A_377 = vector.shape_cast %get3A_376 : vector<16xi32> to vector<16xi32>
      %add3A_378 = arith.addi %get3A_377, %mul3A_23 : vector<16xi32>
      %swap3A = arith.index_cast %add3A_375 : i32 to index
      %swap3A_379 = tpu.vector_load %arg7[%swap3A] {strides = array<i32>} : memref<13312xi32, #tpu.memory_space<vmem>>, vector<16xi32>,
      %swap3A_380 = vector.shape_cast %swap3A_379 : vector<16xi32> to vector<16xi32>
      %swap3A_381 = vector.shape_cast %add3A_378 : vector<16xi32> to vector<16xi32>
      tpu.vector_store %arg7[%swap3A], %swap3A_381 {strides = array<i32>} : memref<13312xi32, #tpu.memory_space<vmem>>, vector<16xi32>,
      %mul3A_382 = arith.constant 208 : i32
      %mul3A_383 = arith.muli %scan3A_371, %mul3A_382 : i32
      %add3A_384 = arith.constant 16 : i32
      %add3A_385 = arith.addi %mul3A_383, %add3A_384 : i32
      %get3A_386 = arith.index_cast %add3A_385 : i32 to index
      %get3A_387 = tpu.vector_load %arg7[%get3A_386] {strides = array<i32>} : memref<13312xi32, #tpu.memory_space<vmem>>, vector<16xi32>,
      %get3A_388 = vector.shape_cast %get3A_387 : vector<16xi32> to vector<16xi32>
      %add3A_389 = arith.addi %get3A_388, %mul3A_51 : vector<16xi32>
      %swap3A_390 = arith.index_cast %add3A_385 : i32 to index
      %swap3A_391 = tpu.vector_load %arg7[%swap3A_390] {strides = array<i32>} : memref<13312xi32, #tpu.memory_space<vmem>>, vector<16xi32>,
      %swap3A_392 = vector.shape_cast %swap3A_391 : vector<16xi32> to vector<16xi32>
      %swap3A_393 = vector.shape_cast %add3A_389 : vector<16xi32> to vector<16xi32>
      tpu.vector_store %arg7[%swap3A_390], %swap3A_393 {strides = array<i32>} : memref<13312xi32, #tpu.memory_space<vmem>>, vector<16xi32>,
      %mul3A_394 = arith.constant 208 : i32
      %mul3A_395 = arith.muli %scan3A_371, %mul3A_394 : i32
      %add3A_396 = arith.constant 32 : i32
      %add3A_397 = arith.addi %mul3A_395, %add3A_396 : i32
      %get3A_398 = arith.index_cast %add3A_397 : i32 to index
      %get3A_399 = tpu.vector_load %arg7[%get3A_398] {strides = array<i32>} : memref<13312xi32, #tpu.memory_space<vmem>>, vector<16xi32>,
      %get3A_400 = vector.shape_cast %get3A_399 : vector<16xi32> to vector<16xi32>
      %add3A_401 = arith.addi %get3A_400, %mul3A_79 : vector<16xi32>
      %swap3A_402 = arith.index_cast %add3A_397 : i32 to index
      %swap3A_403 = tpu.vector_load %arg7[%swap3A_402] {strides = array<i32>} : memref<13312xi32, #tpu.memory_space<vmem>>, vector<16xi32>,
      %swap3A_404 = vector.shape_cast %swap3A_403 : vector<16xi32> to vector<16xi32>
      %swap3A_405 = vector.shape_cast %add3A_401 : vector<16xi32> to vector<16xi32>
      tpu.vector_store %arg7[%swap3A_402], %swap3A_405 {strides = array<i32>} : memref<13312xi32, #tpu.memory_space<vmem>>, vector<16xi32>,
      %mul3A_406 = arith.constant 208 : i32
      %mul3A_407 = arith.muli %scan3A_371, %mul3A_406 : i32
      %add3A_408 = arith.constant 48 : i32
      %add3A_409 = arith.addi %mul3A_407, %add3A_408 : i32
      %get3A_410 = arith.index_cast %add3A_409 : i32 to index
      %get3A_411 = tpu.vector_load %arg7[%get3A_410] {strides = array<i32>} : memref<13312xi32, #tpu.memory_space<vmem>>, vector<16xi32>,
      %get3A_412 = vector.shape_cast %get3A_411 : vector<16xi32> to vector<16xi32>
      %add3A_413 = arith.addi %get3A_412, %mul3A_107 : vector<16xi32>
      %swap3A_414 = arith.index_cast %add3A_409 : i32 to index
      %swap3A_415 = tpu.vector_load %arg7[%swap3A_414] {strides = array<i32>} : memref<13312xi32, #tpu.memory_space<vmem>>, vector<16xi32>,
      %swap3A_416 = vector.shape_cast %swap3A_415 : vector<16xi32> to vector<16xi32>
      %swap3A_417 = vector.shape_cast %add3A_413 : vector<16xi32> to vector<16xi32>
      tpu.vector_store %arg7[%swap3A_414], %swap3A_417 {strides = array<i32>} : memref<13312xi32, #tpu.memory_space<vmem>>, vector<16xi32>,
      %mul3A_418 = arith.constant 208 : i32
      %mul3A_419 = arith.muli %scan3A_371, %mul3A_418 : i32
      %add3A_420 = arith.constant 64 : i32
      %add3A_421 = arith.addi %mul3A_419, %add3A_420 : i32
      %get3A_422 = arith.index_cast %add3A_421 : i32 to index
      %get3A_423 = tpu.vector_load %arg7[%get3A_422] {strides = array<i32>} : memref<13312xi32, #tpu.memory_space<vmem>>, vector<16xi32>,
      %get3A_424 = vector.shape_cast %get3A_423 : vector<16xi32> to vector<16xi32>
      %add3A_425 = arith.addi %get3A_424, %mul3A_135 : vector<16xi32>
      %swap3A_426 = arith.index_cast %add3A_421 : i32 to index
      %swap3A_427 = tpu.vector_load %arg7[%swap3A_426] {strides = array<i32>} : memref<13312xi32, #tpu.memory_space<vmem>>, vector<16xi32>,
      %swap3A_428 = vector.shape_cast %swap3A_427 : vector<16xi32> to vector<16xi32>
      %swap3A_429 = vector.shape_cast %add3A_425 : vector<16xi32> to vector<16xi32>
      tpu.vector_store %arg7[%swap3A_426], %swap3A_429 {strides = array<i32>} : memref<13312xi32, #tpu.memory_space<vmem>>, vector<16xi32>,
      %mul3A_430 = arith.constant 208 : i32
      %mul3A_431 = arith.muli %scan3A_371, %mul3A_430 : i32
      %add3A_432 = arith.constant 80 : i32
      %add3A_433 = arith.addi %mul3A_431, %add3A_432 : i32
      %get3A_434 = arith.index_cast %add3A_433 : i32 to index
      %get3A_435 = tpu.vector_load %arg7[%get3A_434] {strides = array<i32>} : memref<13312xi32, #tpu.memory_space<vmem>>, vector<16xi32>,
      %get3A_436 = vector.shape_cast %get3A_435 : vector<16xi32> to vector<16xi32>
      %add3A_437 = arith.addi %get3A_436, %mul3A_163 : vector<16xi32>
      %swap3A_438 = arith.index_cast %add3A_433 : i32 to index
      %swap3A_439 = tpu.vector_load %arg7[%swap3A_438] {strides = array<i32>} : memref<13312xi32, #tpu.memory_space<vmem>>, vector<16xi32>,
      %swap3A_440 = vector.shape_cast %swap3A_439 : vector<16xi32> to vector<16xi32>
      %swap3A_441 = vector.shape_cast %add3A_437 : vector<16xi32> to vector<16xi32>
      tpu.vector_store %arg7[%swap3A_438], %swap3A_441 {strides = array<i32>} : memref<13312xi32, #tpu.memory_space<vmem>>, vector<16xi32>,
      %mul3A_442 = arith.constant 208 : i32
      %mul3A_443 = arith.muli %scan3A_371, %mul3A_442 : i32
      %add3A_444 = arith.constant 96 : i32
      %add3A_445 = arith.addi %mul3A_443, %add3A_444 : i32
      %get3A_446 = arith.index_cast %add3A_445 : i32 to index
      %get3A_447 = tpu.vector_load %arg7[%get3A_446] {strides = array<i32>} : memref<13312xi32, #tpu.memory_space<vmem>>, vector<16xi32>,
      %get3A_448 = vector.shape_cast %get3A_447 : vector<16xi32> to vector<16xi32>
      %add3A_449 = arith.addi %get3A_448, %mul3A_191 : vector<16xi32>
      %swap3A_450 = arith.index_cast %add3A_445 : i32 to index
      %swap3A_451 = tpu.vector_load %arg7[%swap3A_450] {strides = array<i32>} : memref<13312xi32, #tpu.memory_space<vmem>>, vector<16xi32>,
      %swap3A_452 = vector.shape_cast %swap3A_451 : vector<16xi32> to vector<16xi32>
      %swap3A_453 = vector.shape_cast %add3A_449 : vector<16xi32> to vector<16xi32>
      tpu.vector_store %arg7[%swap3A_450], %swap3A_453 {strides = array<i32>} : memref<13312xi32, #tpu.memory_space<vmem>>, vector<16xi32>,
      %mul3A_454 = arith.constant 208 : i32
      %mul3A_455 = arith.muli %scan3A_371, %mul3A_454 : i32
      %add3A_456 = arith.constant 112 : i32
      %add3A_457 = arith.addi %mul3A_455, %add3A_456 : i32
      %get3A_458 = arith.index_cast %add3A_457 : i32 to index
      %get3A_459 = tpu.vector_load %arg7[%get3A_458] {strides = array<i32>} : memref<13312xi32, #tpu.memory_space<vmem>>, vector<16xi32>,
      %get3A_460 = vector.shape_cast %get3A_459 : vector<16xi32> to vector<16xi32>
      %add3A_461 = arith.addi %get3A_460, %mul3A_219 : vector<16xi32>
      %swap3A_462 = arith.index_cast %add3A_457 : i32 to index
      %swap3A_463 = tpu.vector_load %arg7[%swap3A_462] {strides = array<i32>} : memref<13312xi32, #tpu.memory_space<vmem>>, vector<16xi32>,
      %swap3A_464 = vector.shape_cast %swap3A_463 : vector<16xi32> to vector<16xi32>
      %swap3A_465 = vector.shape_cast %add3A_461 : vector<16xi32> to vector<16xi32>
      tpu.vector_store %arg7[%swap3A_462], %swap3A_465 {strides = array<i32>} : memref<13312xi32, #tpu.memory_space<vmem>>, vector<16xi32>,
      %mul3A_466 = arith.constant 208 : i32
      %mul3A_467 = arith.muli %scan3A_371, %mul3A_466 : i32
      %add3A_468 = arith.constant 128 : i32
      %add3A_469 = arith.addi %mul3A_467, %add3A_468 : i32
      %get3A_470 = arith.index_cast %add3A_469 : i32 to index
      %get3A_471 = tpu.vector_load %arg7[%get3A_470] {strides = array<i32>} : memref<13312xi32, #tpu.memory_space<vmem>>, vector<16xi32>,
      %get3A_472 = vector.shape_cast %get3A_471 : vector<16xi32> to vector<16xi32>
      %add3A_473 = arith.addi %get3A_472, %mul3A_247 : vector<16xi32>
      %swap3A_474 = arith.index_cast %add3A_469 : i32 to index
      %swap3A_475 = tpu.vector_load %arg7[%swap3A_474] {strides = array<i32>} : memref<13312xi32, #tpu.memory_space<vmem>>, vector<16xi32>,
      %swap3A_476 = vector.shape_cast %swap3A_475 : vector<16xi32> to vector<16xi32>
      %swap3A_477 = vector.shape_cast %add3A_473 : vector<16xi32> to vector<16xi32>
      tpu.vector_store %arg7[%swap3A_474], %swap3A_477 {strides = array<i32>} : memref<13312xi32, #tpu.memory_space<vmem>>, vector<16xi32>,
      %mul3A_478 = arith.constant 208 : i32
      %mul3A_479 = arith.muli %scan3A_371, %mul3A_478 : i32
      %add3A_480 = arith.constant 144 : i32
      %add3A_481 = arith.addi %mul3A_479, %add3A_480 : i32
      %get3A_482 = arith.index_cast %add3A_481 : i32 to index
      %get3A_483 = tpu.vector_load %arg7[%get3A_482] {strides = array<i32>} : memref<13312xi32, #tpu.memory_space<vmem>>, vector<16xi32>,
      %get3A_484 = vector.shape_cast %get3A_483 : vector<16xi32> to vector<16xi32>
      %add3A_485 = arith.addi %get3A_484, %mul3A_275 : vector<16xi32>
      %swap3A_486 = arith.index_cast %add3A_481 : i32 to index
      %swap3A_487 = tpu.vector_load %arg7[%swap3A_486] {strides = array<i32>} : memref<13312xi32, #tpu.memory_space<vmem>>, vector<16xi32>,
      %swap3A_488 = vector.shape_cast %swap3A_487 : vector<16xi32> to vector<16xi32>
      %swap3A_489 = vector.shape_cast %add3A_485 : vector<16xi32> to vector<16xi32>
      tpu.vector_store %arg7[%swap3A_486], %swap3A_489 {strides = array<i32>} : memref<13312xi32, #tpu.memory_space<vmem>>, vector<16xi32>,
      %mul3A_490 = arith.constant 208 : i32
      %mul3A_491 = arith.muli %scan3A_371, %mul3A_490 : i32
      %add3A_492 = arith.constant 160 : i32
      %add3A_493 = arith.addi %mul3A_491, %add3A_492 : i32
      %get3A_494 = arith.index_cast %add3A_493 : i32 to index
      %get3A_495 = tpu.vector_load %arg7[%get3A_494] {strides = array<i32>} : memref<13312xi32, #tpu.memory_space<vmem>>, vector<16xi32>,
      %get3A_496 = vector.shape_cast %get3A_495 : vector<16xi32> to vector<16xi32>
      %add3A_497 = arith.addi %get3A_496, %mul3A_303 : vector<16xi32>
      %swap3A_498 = arith.index_cast %add3A_493 : i32 to index
      %swap3A_499 = tpu.vector_load %arg7[%swap3A_498] {strides = array<i32>} : memref<13312xi32, #tpu.memory_space<vmem>>, vector<16xi32>,
      %swap3A_500 = vector.shape_cast %swap3A_499 : vector<16xi32> to vector<16xi32>
      %swap3A_501 = vector.shape_cast %add3A_497 : vector<16xi32> to vector<16xi32>
      tpu.vector_store %arg7[%swap3A_498], %swap3A_501 {strides = array<i32>} : memref<13312xi32, #tpu.memory_space<vmem>>, vector<16xi32>,
      %mul3A_502 = arith.constant 208 : i32
      %mul3A_503 = arith.muli %scan3A_371, %mul3A_502 : i32
      %add3A_504 = arith.constant 176 : i32
      %add3A_505 = arith.addi %mul3A_503, %add3A_504 : i32
      %get3A_506 = arith.index_cast %add3A_505 : i32 to index
      %get3A_507 = tpu.vector_load %arg7[%get3A_506] {strides = array<i32>} : memref<13312xi32, #tpu.memory_space<vmem>>, vector<16xi32>,
      %get3A_508 = vector.shape_cast %get3A_507 : vector<16xi32> to vector<16xi32>
      %add3A_509 = arith.addi %get3A_508, %mul3A_331 : vector<16xi32>
      %swap3A_510 = arith.index_cast %add3A_505 : i32 to index
      %swap3A_511 = tpu.vector_load %arg7[%swap3A_510] {strides = array<i32>} : memref<13312xi32, #tpu.memory_space<vmem>>, vector<16xi32>,
      %swap3A_512 = vector.shape_cast %swap3A_511 : vector<16xi32> to vector<16xi32>
      %swap3A_513 = vector.shape_cast %add3A_509 : vector<16xi32> to vector<16xi32>
      tpu.vector_store %arg7[%swap3A_510], %swap3A_513 {strides = array<i32>} : memref<13312xi32, #tpu.memory_space<vmem>>, vector<16xi32>,
      %mul3A_514 = arith.constant 208 : i32
      %mul3A_515 = arith.muli %scan3A_371, %mul3A_514 : i32
      %add3A_516 = arith.constant 192 : i32
      %add3A_517 = arith.addi %mul3A_515, %add3A_516 : i32
      %get3A_518 = arith.index_cast %add3A_517 : i32 to index
      %get3A_519 = tpu.vector_load %arg7[%get3A_518] {strides = array<i32>} : memref<13312xi32, #tpu.memory_space<vmem>>, vector<16xi32>,
      %get3A_520 = vector.shape_cast %get3A_519 : vector<16xi32> to vector<16xi32>
      %add3A_521 = arith.addi %get3A_520, %mul3A_359 : vector<16xi32>
      %swap3A_522 = arith.index_cast %add3A_517 : i32 to index
      %swap3A_523 = tpu.vector_load %arg7[%swap3A_522] {strides = array<i32>} : memref<13312xi32, #tpu.memory_space<vmem>>, vector<16xi32>,
      %swap3A_524 = vector.shape_cast %swap3A_523 : vector<16xi32> to vector<16xi32>
      %swap3A_525 = vector.shape_cast %add3A_521 : vector<16xi32> to vector<16xi32>
      tpu.vector_store %arg7[%swap3A_522], %swap3A_525 {strides = array<i32>} : memref<13312xi32, #tpu.memory_space<vmem>>, vector<16xi32>,
    }
    %scan3A_364 = arith.constant 64 : i32
    %scan3A_365 = arith.constant 0 : i32
    %scan3A_366 = arith.constant 0 : i32
    %scan3A_367 = arith.constant 13 : i32
    %scan3A_368 = arith.addi %scan3A_366, %scan3A_367 : i32
    %scan3A_369 = arith.constant 1 : i32
    scf.for %scan3A_371 = %scan3A_366 to %scan3A_368 step %scan3A_369  : i32 {
      %mul3A_372 = arith.constant 1024 : i32
      %mul3A_373 = arith.muli %scan3A_371, %mul3A_372 : i32
      %add3A_374 = arith.constant 0 : i32
      %add3A_375 = arith.addi %mul3A_373, %add3A_374 : i32
      %dma_start3A = arith.constant 0 : i32
      %dma_start3A_376 = arith.constant 0 : i32
      %dma_start3A_377 = tpu.memref_slice %arg8[%dma_start3A, %dma_start3A_376] : memref<1024x16xf32, #tpu.memory_space<vmem>> -> memref<128x16xf32, #tpu.memory_space<vmem>>
      %dma_start3A_378 = tpu.memref_slice %arg7[%add3A_375] : memref<13312xi32, #tpu.memory_space<vmem>> -> memref<128xi32, #tpu.memory_space<vmem>>
      %dma_start3A_379 = arith.constant 0 : i32
      %dma_start3A_380 = arith.constant 0 : i32
      %dma_start3A_381 = tpu.memref_slice %arg3[%dma_start3A_379, %dma_start3A_380] : memref<2629120x16xf32, #tpu.memory_space<hbm>> -> memref<2629120x16xf32, #tpu.memory_space<hbm>>
      tpu.enqueue_indirect_dma source(%dma_start3A_381 : memref<2629120x16xf32, #tpu.memory_space<hbm>>) target(%dma_start3A_377 : memref<128x16xf32, #tpu.memory_space<vmem>>) offsets(%dma_start3A_378 : memref<128xi32, #tpu.memory_space<vmem>>) semaphore(%arg10 : memref<!tpu.dma_semaphore, #tpu.memory_space<semaphore_mem>>)
      %dma_start3A_382 = arith.constant 0 : i32
      %dma_start3A_383 = tpu.memref_slice %arg9[%dma_start3A_382] : memref<1024xf32, #tpu.memory_space<vmem>> -> memref<128xf32, #tpu.memory_space<vmem>>
      %dma_start3A_384 = tpu.memref_slice %arg7[%add3A_375] : memref<13312xi32, #tpu.memory_space<vmem>> -> memref<128xi32, #tpu.memory_space<vmem>>
      %dma_start3A_385 = arith.constant 0 : i32
      %dma_start3A_386 = tpu.memref_slice %arg4[%dma_start3A_385] : memref<2600000xf32, #tpu.memory_space<hbm>> -> memref<2600000xf32, #tpu.memory_space<hbm>>
      tpu.enqueue_indirect_dma source(%dma_start3A_386 : memref<2600000xf32, #tpu.memory_space<hbm>>) target(%dma_start3A_383 : memref<128xf32, #tpu.memory_space<vmem>>) offsets(%dma_start3A_384 : memref<128xi32, #tpu.memory_space<vmem>>) semaphore(%arg11 : memref<!tpu.dma_semaphore, #tpu.memory_space<semaphore_mem>>)
      %mul3A_387 = arith.constant 1024 : i32
      %mul3A_388 = arith.muli %scan3A_371, %mul3A_387 : i32
      %add3A_389 = arith.constant 128 : i32
      %add3A_390 = arith.addi %mul3A_388, %add3A_389 : i32
      %dma_start3A_391 = arith.constant 128 : i32
      %dma_start3A_392 = arith.constant 0 : i32
      %dma_start3A_393 = tpu.memref_slice %arg8[%dma_start3A_391, %dma_start3A_392] : memref<1024x16xf32, #tpu.memory_space<vmem>> -> memref<128x16xf32, #tpu.memory_space<vmem>>
      %dma_start3A_394 = tpu.memref_slice %arg7[%add3A_390] : memref<13312xi32, #tpu.memory_space<vmem>> -> memref<128xi32, #tpu.memory_space<vmem>>
      %dma_start3A_395 = arith.constant 0 : i32
      %dma_start3A_396 = arith.constant 0 : i32
      %dma_start3A_397 = tpu.memref_slice %arg3[%dma_start3A_395, %dma_start3A_396] : memref<2629120x16xf32, #tpu.memory_space<hbm>> -> memref<2629120x16xf32, #tpu.memory_space<hbm>>
      tpu.enqueue_indirect_dma source(%dma_start3A_397 : memref<2629120x16xf32, #tpu.memory_space<hbm>>) target(%dma_start3A_393 : memref<128x16xf32, #tpu.memory_space<vmem>>) offsets(%dma_start3A_394 : memref<128xi32, #tpu.memory_space<vmem>>) semaphore(%arg10 : memref<!tpu.dma_semaphore, #tpu.memory_space<semaphore_mem>>)
      %dma_start3A_398 = arith.constant 128 : i32
      %dma_start3A_399 = tpu.memref_slice %arg9[%dma_start3A_398] : memref<1024xf32, #tpu.memory_space<vmem>> -> memref<128xf32, #tpu.memory_space<vmem>>
      %dma_start3A_400 = tpu.memref_slice %arg7[%add3A_390] : memref<13312xi32, #tpu.memory_space<vmem>> -> memref<128xi32, #tpu.memory_space<vmem>>
      %dma_start3A_401 = arith.constant 0 : i32
      %dma_start3A_402 = tpu.memref_slice %arg4[%dma_start3A_401] : memref<2600000xf32, #tpu.memory_space<hbm>> -> memref<2600000xf32, #tpu.memory_space<hbm>>
      tpu.enqueue_indirect_dma source(%dma_start3A_402 : memref<2600000xf32, #tpu.memory_space<hbm>>) target(%dma_start3A_399 : memref<128xf32, #tpu.memory_space<vmem>>) offsets(%dma_start3A_400 : memref<128xi32, #tpu.memory_space<vmem>>) semaphore(%arg11 : memref<!tpu.dma_semaphore, #tpu.memory_space<semaphore_mem>>)
      %mul3A_403 = arith.constant 1024 : i32
      %mul3A_404 = arith.muli %scan3A_371, %mul3A_403 : i32
      %add3A_405 = arith.constant 256 : i32
      %add3A_406 = arith.addi %mul3A_404, %add3A_405 : i32
      %dma_start3A_407 = arith.constant 256 : i32
      %dma_start3A_408 = arith.constant 0 : i32
      %dma_start3A_409 = tpu.memref_slice %arg8[%dma_start3A_407, %dma_start3A_408] : memref<1024x16xf32, #tpu.memory_space<vmem>> -> memref<128x16xf32, #tpu.memory_space<vmem>>
      %dma_start3A_410 = tpu.memref_slice %arg7[%add3A_406] : memref<13312xi32, #tpu.memory_space<vmem>> -> memref<128xi32, #tpu.memory_space<vmem>>
      %dma_start3A_411 = arith.constant 0 : i32
      %dma_start3A_412 = arith.constant 0 : i32
      %dma_start3A_413 = tpu.memref_slice %arg3[%dma_start3A_411, %dma_start3A_412] : memref<2629120x16xf32, #tpu.memory_space<hbm>> -> memref<2629120x16xf32, #tpu.memory_space<hbm>>
      tpu.enqueue_indirect_dma source(%dma_start3A_413 : memref<2629120x16xf32, #tpu.memory_space<hbm>>) target(%dma_start3A_409 : memref<128x16xf32, #tpu.memory_space<vmem>>) offsets(%dma_start3A_410 : memref<128xi32, #tpu.memory_space<vmem>>) semaphore(%arg10 : memref<!tpu.dma_semaphore, #tpu.memory_space<semaphore_mem>>)
      %dma_start3A_414 = arith.constant 256 : i32
      %dma_start3A_415 = tpu.memref_slice %arg9[%dma_start3A_414] : memref<1024xf32, #tpu.memory_space<vmem>> -> memref<128xf32, #tpu.memory_space<vmem>>
      %dma_start3A_416 = tpu.memref_slice %arg7[%add3A_406] : memref<13312xi32, #tpu.memory_space<vmem>> -> memref<128xi32, #tpu.memory_space<vmem>>
      %dma_start3A_417 = arith.constant 0 : i32
      %dma_start3A_418 = tpu.memref_slice %arg4[%dma_start3A_417] : memref<2600000xf32, #tpu.memory_space<hbm>> -> memref<2600000xf32, #tpu.memory_space<hbm>>
      tpu.enqueue_indirect_dma source(%dma_start3A_418 : memref<2600000xf32, #tpu.memory_space<hbm>>) target(%dma_start3A_415 : memref<128xf32, #tpu.memory_space<vmem>>) offsets(%dma_start3A_416 : memref<128xi32, #tpu.memory_space<vmem>>) semaphore(%arg11 : memref<!tpu.dma_semaphore, #tpu.memory_space<semaphore_mem>>)
      %mul3A_419 = arith.constant 1024 : i32
      %mul3A_420 = arith.muli %scan3A_371, %mul3A_419 : i32
      %add3A_421 = arith.constant 384 : i32
      %add3A_422 = arith.addi %mul3A_420, %add3A_421 : i32
      %dma_start3A_423 = arith.constant 384 : i32
      %dma_start3A_424 = arith.constant 0 : i32
      %dma_start3A_425 = tpu.memref_slice %arg8[%dma_start3A_423, %dma_start3A_424] : memref<1024x16xf32, #tpu.memory_space<vmem>> -> memref<128x16xf32, #tpu.memory_space<vmem>>
      %dma_start3A_426 = tpu.memref_slice %arg7[%add3A_422] : memref<13312xi32, #tpu.memory_space<vmem>> -> memref<128xi32, #tpu.memory_space<vmem>>
      %dma_start3A_427 = arith.constant 0 : i32
      %dma_start3A_428 = arith.constant 0 : i32
      %dma_start3A_429 = tpu.memref_slice %arg3[%dma_start3A_427, %dma_start3A_428] : memref<2629120x16xf32, #tpu.memory_space<hbm>> -> memref<2629120x16xf32, #tpu.memory_space<hbm>>
      tpu.enqueue_indirect_dma source(%dma_start3A_429 : memref<2629120x16xf32, #tpu.memory_space<hbm>>) target(%dma_start3A_425 : memref<128x16xf32, #tpu.memory_space<vmem>>) offsets(%dma_start3A_426 : memref<128xi32, #tpu.memory_space<vmem>>) semaphore(%arg10 : memref<!tpu.dma_semaphore, #tpu.memory_space<semaphore_mem>>)
      %dma_start3A_430 = arith.constant 384 : i32
      %dma_start3A_431 = tpu.memref_slice %arg9[%dma_start3A_430] : memref<1024xf32, #tpu.memory_space<vmem>> -> memref<128xf32, #tpu.memory_space<vmem>>
      %dma_start3A_432 = tpu.memref_slice %arg7[%add3A_422] : memref<13312xi32, #tpu.memory_space<vmem>> -> memref<128xi32, #tpu.memory_space<vmem>>
      %dma_start3A_433 = arith.constant 0 : i32
      %dma_start3A_434 = tpu.memref_slice %arg4[%dma_start3A_433] : memref<2600000xf32, #tpu.memory_space<hbm>> -> memref<2600000xf32, #tpu.memory_space<hbm>>
      tpu.enqueue_indirect_dma source(%dma_start3A_434 : memref<2600000xf32, #tpu.memory_space<hbm>>) target(%dma_start3A_431 : memref<128xf32, #tpu.memory_space<vmem>>) offsets(%dma_start3A_432 : memref<128xi32, #tpu.memory_space<vmem>>) semaphore(%arg11 : memref<!tpu.dma_semaphore, #tpu.memory_space<semaphore_mem>>)
      %mul3A_435 = arith.constant 1024 : i32
      %mul3A_436 = arith.muli %scan3A_371, %mul3A_435 : i32
      %add3A_437 = arith.constant 512 : i32
      %add3A_438 = arith.addi %mul3A_436, %add3A_437 : i32
      %dma_start3A_439 = arith.constant 512 : i32
      %dma_start3A_440 = arith.constant 0 : i32
      %dma_start3A_441 = tpu.memref_slice %arg8[%dma_start3A_439, %dma_start3A_440] : memref<1024x16xf32, #tpu.memory_space<vmem>> -> memref<128x16xf32, #tpu.memory_space<vmem>>
      %dma_start3A_442 = tpu.memref_slice %arg7[%add3A_438] : memref<13312xi32, #tpu.memory_space<vmem>> -> memref<128xi32, #tpu.memory_space<vmem>>
      %dma_start3A_443 = arith.constant 0 : i32
      %dma_start3A_444 = arith.constant 0 : i32
      %dma_start3A_445 = tpu.memref_slice %arg3[%dma_start3A_443, %dma_start3A_444] : memref<2629120x16xf32, #tpu.memory_space<hbm>> -> memref<2629120x16xf32, #tpu.memory_space<hbm>>
      tpu.enqueue_indirect_dma source(%dma_start3A_445 : memref<2629120x16xf32, #tpu.memory_space<hbm>>) target(%dma_start3A_441 : memref<128x16xf32, #tpu.memory_space<vmem>>) offsets(%dma_start3A_442 : memref<128xi32, #tpu.memory_space<vmem>>) semaphore(%arg10 : memref<!tpu.dma_semaphore, #tpu.memory_space<semaphore_mem>>)
      %dma_start3A_446 = arith.constant 512 : i32
      %dma_start3A_447 = tpu.memref_slice %arg9[%dma_start3A_446] : memref<1024xf32, #tpu.memory_space<vmem>> -> memref<128xf32, #tpu.memory_space<vmem>>
      %dma_start3A_448 = tpu.memref_slice %arg7[%add3A_438] : memref<13312xi32, #tpu.memory_space<vmem>> -> memref<128xi32, #tpu.memory_space<vmem>>
      %dma_start3A_449 = arith.constant 0 : i32
      %dma_start3A_450 = tpu.memref_slice %arg4[%dma_start3A_449] : memref<2600000xf32, #tpu.memory_space<hbm>> -> memref<2600000xf32, #tpu.memory_space<hbm>>
      tpu.enqueue_indirect_dma source(%dma_start3A_450 : memref<2600000xf32, #tpu.memory_space<hbm>>) target(%dma_start3A_447 : memref<128xf32, #tpu.memory_space<vmem>>) offsets(%dma_start3A_448 : memref<128xi32, #tpu.memory_space<vmem>>) semaphore(%arg11 : memref<!tpu.dma_semaphore, #tpu.memory_space<semaphore_mem>>)
      %mul3A_451 = arith.constant 1024 : i32
      %mul3A_452 = arith.muli %scan3A_371, %mul3A_451 : i32
      %add3A_453 = arith.constant 640 : i32
      %add3A_454 = arith.addi %mul3A_452, %add3A_453 : i32
      %dma_start3A_455 = arith.constant 640 : i32
      %dma_start3A_456 = arith.constant 0 : i32
      %dma_start3A_457 = tpu.memref_slice %arg8[%dma_start3A_455, %dma_start3A_456] : memref<1024x16xf32, #tpu.memory_space<vmem>> -> memref<128x16xf32, #tpu.memory_space<vmem>>
      %dma_start3A_458 = tpu.memref_slice %arg7[%add3A_454] : memref<13312xi32, #tpu.memory_space<vmem>> -> memref<128xi32, #tpu.memory_space<vmem>>
      %dma_start3A_459 = arith.constant 0 : i32
      %dma_start3A_460 = arith.constant 0 : i32
      %dma_start3A_461 = tpu.memref_slice %arg3[%dma_start3A_459, %dma_start3A_460] : memref<2629120x16xf32, #tpu.memory_space<hbm>> -> memref<2629120x16xf32, #tpu.memory_space<hbm>>
      tpu.enqueue_indirect_dma source(%dma_start3A_461 : memref<2629120x16xf32, #tpu.memory_space<hbm>>) target(%dma_start3A_457 : memref<128x16xf32, #tpu.memory_space<vmem>>) offsets(%dma_start3A_458 : memref<128xi32, #tpu.memory_space<vmem>>) semaphore(%arg10 : memref<!tpu.dma_semaphore, #tpu.memory_space<semaphore_mem>>)
      %dma_start3A_462 = arith.constant 640 : i32
      %dma_start3A_463 = tpu.memref_slice %arg9[%dma_start3A_462] : memref<1024xf32, #tpu.memory_space<vmem>> -> memref<128xf32, #tpu.memory_space<vmem>>
      %dma_start3A_464 = tpu.memref_slice %arg7[%add3A_454] : memref<13312xi32, #tpu.memory_space<vmem>> -> memref<128xi32, #tpu.memory_space<vmem>>
      %dma_start3A_465 = arith.constant 0 : i32
      %dma_start3A_466 = tpu.memref_slice %arg4[%dma_start3A_465] : memref<2600000xf32, #tpu.memory_space<hbm>> -> memref<2600000xf32, #tpu.memory_space<hbm>>
      tpu.enqueue_indirect_dma source(%dma_start3A_466 : memref<2600000xf32, #tpu.memory_space<hbm>>) target(%dma_start3A_463 : memref<128xf32, #tpu.memory_space<vmem>>) offsets(%dma_start3A_464 : memref<128xi32, #tpu.memory_space<vmem>>) semaphore(%arg11 : memref<!tpu.dma_semaphore, #tpu.memory_space<semaphore_mem>>)
      %mul3A_467 = arith.constant 1024 : i32
      %mul3A_468 = arith.muli %scan3A_371, %mul3A_467 : i32
      %add3A_469 = arith.constant 768 : i32
      %add3A_470 = arith.addi %mul3A_468, %add3A_469 : i32
      %dma_start3A_471 = arith.constant 768 : i32
      %dma_start3A_472 = arith.constant 0 : i32
      %dma_start3A_473 = tpu.memref_slice %arg8[%dma_start3A_471, %dma_start3A_472] : memref<1024x16xf32, #tpu.memory_space<vmem>> -> memref<128x16xf32, #tpu.memory_space<vmem>>
      %dma_start3A_474 = tpu.memref_slice %arg7[%add3A_470] : memref<13312xi32, #tpu.memory_space<vmem>> -> memref<128xi32, #tpu.memory_space<vmem>>
      %dma_start3A_475 = arith.constant 0 : i32
      %dma_start3A_476 = arith.constant 0 : i32
      %dma_start3A_477 = tpu.memref_slice %arg3[%dma_start3A_475, %dma_start3A_476] : memref<2629120x16xf32, #tpu.memory_space<hbm>> -> memref<2629120x16xf32, #tpu.memory_space<hbm>>
      tpu.enqueue_indirect_dma source(%dma_start3A_477 : memref<2629120x16xf32, #tpu.memory_space<hbm>>) target(%dma_start3A_473 : memref<128x16xf32, #tpu.memory_space<vmem>>) offsets(%dma_start3A_474 : memref<128xi32, #tpu.memory_space<vmem>>) semaphore(%arg10 : memref<!tpu.dma_semaphore, #tpu.memory_space<semaphore_mem>>)
      %dma_start3A_478 = arith.constant 768 : i32
      %dma_start3A_479 = tpu.memref_slice %arg9[%dma_start3A_478] : memref<1024xf32, #tpu.memory_space<vmem>> -> memref<128xf32, #tpu.memory_space<vmem>>
      %dma_start3A_480 = tpu.memref_slice %arg7[%add3A_470] : memref<13312xi32, #tpu.memory_space<vmem>> -> memref<128xi32, #tpu.memory_space<vmem>>
      %dma_start3A_481 = arith.constant 0 : i32
      %dma_start3A_482 = tpu.memref_slice %arg4[%dma_start3A_481] : memref<2600000xf32, #tpu.memory_space<hbm>> -> memref<2600000xf32, #tpu.memory_space<hbm>>
      tpu.enqueue_indirect_dma source(%dma_start3A_482 : memref<2600000xf32, #tpu.memory_space<hbm>>) target(%dma_start3A_479 : memref<128xf32, #tpu.memory_space<vmem>>) offsets(%dma_start3A_480 : memref<128xi32, #tpu.memory_space<vmem>>) semaphore(%arg11 : memref<!tpu.dma_semaphore, #tpu.memory_space<semaphore_mem>>)
      %mul3A_483 = arith.constant 1024 : i32
      %mul3A_484 = arith.muli %scan3A_371, %mul3A_483 : i32
      %add3A_485 = arith.constant 896 : i32
      %add3A_486 = arith.addi %mul3A_484, %add3A_485 : i32
      %dma_start3A_487 = arith.constant 896 : i32
      %dma_start3A_488 = arith.constant 0 : i32
      %dma_start3A_489 = tpu.memref_slice %arg8[%dma_start3A_487, %dma_start3A_488] : memref<1024x16xf32, #tpu.memory_space<vmem>> -> memref<128x16xf32, #tpu.memory_space<vmem>>
      %dma_start3A_490 = tpu.memref_slice %arg7[%add3A_486] : memref<13312xi32, #tpu.memory_space<vmem>> -> memref<128xi32, #tpu.memory_space<vmem>>
      %dma_start3A_491 = arith.constant 0 : i32
      %dma_start3A_492 = arith.constant 0 : i32
      %dma_start3A_493 = tpu.memref_slice %arg3[%dma_start3A_491, %dma_start3A_492] : memref<2629120x16xf32, #tpu.memory_space<hbm>> -> memref<2629120x16xf32, #tpu.memory_space<hbm>>
      tpu.enqueue_indirect_dma source(%dma_start3A_493 : memref<2629120x16xf32, #tpu.memory_space<hbm>>) target(%dma_start3A_489 : memref<128x16xf32, #tpu.memory_space<vmem>>) offsets(%dma_start3A_490 : memref<128xi32, #tpu.memory_space<vmem>>) semaphore(%arg10 : memref<!tpu.dma_semaphore, #tpu.memory_space<semaphore_mem>>)
      %dma_start3A_494 = arith.constant 896 : i32
      %dma_start3A_495 = tpu.memref_slice %arg9[%dma_start3A_494] : memref<1024xf32, #tpu.memory_space<vmem>> -> memref<128xf32, #tpu.memory_space<vmem>>
      %dma_start3A_496 = tpu.memref_slice %arg7[%add3A_486] : memref<13312xi32, #tpu.memory_space<vmem>> -> memref<128xi32, #tpu.memory_space<vmem>>
      %dma_start3A_497 = arith.constant 0 : i32
      %dma_start3A_498 = tpu.memref_slice %arg4[%dma_start3A_497] : memref<2600000xf32, #tpu.memory_space<hbm>> -> memref<2600000xf32, #tpu.memory_space<hbm>>
      tpu.enqueue_indirect_dma source(%dma_start3A_498 : memref<2600000xf32, #tpu.memory_space<hbm>>) target(%dma_start3A_495 : memref<128xf32, #tpu.memory_space<vmem>>) offsets(%dma_start3A_496 : memref<128xi32, #tpu.memory_space<vmem>>) semaphore(%arg11 : memref<!tpu.dma_semaphore, #tpu.memory_space<semaphore_mem>>)
      %dma_wait3A = arith.constant 0 : i32
      %dma_wait3A_499 = arith.constant 0 : i32
      %dma_wait3A_500 = tpu.memref_slice %arg8[%dma_wait3A, %dma_wait3A_499] : memref<1024x16xf32, #tpu.memory_space<vmem>> -> memref<128x16xf32, #tpu.memory_space<vmem>>
      %dma_wait3A_501 = tpu.memref_slice %arg7[%add3A_375] : memref<13312xi32, #tpu.memory_space<vmem>> -> memref<128xi32, #tpu.memory_space<vmem>>
      %dma_wait3A_502 = arith.constant 0 : i32
      %dma_wait3A_503 = arith.constant 0 : i32
      %dma_wait3A_504 = tpu.memref_slice %arg3[%dma_wait3A_502, %dma_wait3A_503] : memref<2629120x16xf32, #tpu.memory_space<hbm>> -> memref<2629120x16xf32, #tpu.memory_space<hbm>>
      tpu.wait_indirect_dma semaphore(%arg10 : memref<!tpu.dma_semaphore, #tpu.memory_space<semaphore_mem>>) src(%dma_wait3A_504 : memref<2629120x16xf32, #tpu.memory_space<hbm>>) dst(%dma_wait3A_500 : memref<128x16xf32, #tpu.memory_space<vmem>>)
      %dma_wait3A_505 = arith.constant 0 : i32
      %dma_wait3A_506 = tpu.memref_slice %arg9[%dma_wait3A_505] : memref<1024xf32, #tpu.memory_space<vmem>> -> memref<128xf32, #tpu.memory_space<vmem>>
      %dma_wait3A_507 = tpu.memref_slice %arg7[%add3A_375] : memref<13312xi32, #tpu.memory_space<vmem>> -> memref<128xi32, #tpu.memory_space<vmem>>
      %dma_wait3A_508 = arith.constant 0 : i32
      %dma_wait3A_509 = tpu.memref_slice %arg4[%dma_wait3A_508] : memref<2600000xf32, #tpu.memory_space<hbm>> -> memref<2600000xf32, #tpu.memory_space<hbm>>
      tpu.wait_indirect_dma semaphore(%arg11 : memref<!tpu.dma_semaphore, #tpu.memory_space<semaphore_mem>>) src(%dma_wait3A_509 : memref<2600000xf32, #tpu.memory_space<hbm>>) dst(%dma_wait3A_506 : memref<128xf32, #tpu.memory_space<vmem>>)
      %dma_wait3A_510 = arith.constant 128 : i32
      %dma_wait3A_511 = arith.constant 0 : i32
      %dma_wait3A_512 = tpu.memref_slice %arg8[%dma_wait3A_510, %dma_wait3A_511] : memref<1024x16xf32, #tpu.memory_space<vmem>> -> memref<128x16xf32, #tpu.memory_space<vmem>>
      %dma_wait3A_513 = tpu.memref_slice %arg7[%add3A_390] : memref<13312xi32, #tpu.memory_space<vmem>> -> memref<128xi32, #tpu.memory_space<vmem>>
      %dma_wait3A_514 = arith.constant 0 : i32
      %dma_wait3A_515 = arith.constant 0 : i32
      %dma_wait3A_516 = tpu.memref_slice %arg3[%dma_wait3A_514, %dma_wait3A_515] : memref<2629120x16xf32, #tpu.memory_space<hbm>> -> memref<2629120x16xf32, #tpu.memory_space<hbm>>
      tpu.wait_indirect_dma semaphore(%arg10 : memref<!tpu.dma_semaphore, #tpu.memory_space<semaphore_mem>>) src(%dma_wait3A_516 : memref<2629120x16xf32, #tpu.memory_space<hbm>>) dst(%dma_wait3A_512 : memref<128x16xf32, #tpu.memory_space<vmem>>)
      %dma_wait3A_517 = arith.constant 128 : i32
      %dma_wait3A_518 = tpu.memref_slice %arg9[%dma_wait3A_517] : memref<1024xf32, #tpu.memory_space<vmem>> -> memref<128xf32, #tpu.memory_space<vmem>>
      %dma_wait3A_519 = tpu.memref_slice %arg7[%add3A_390] : memref<13312xi32, #tpu.memory_space<vmem>> -> memref<128xi32, #tpu.memory_space<vmem>>
      %dma_wait3A_520 = arith.constant 0 : i32
      %dma_wait3A_521 = tpu.memref_slice %arg4[%dma_wait3A_520] : memref<2600000xf32, #tpu.memory_space<hbm>> -> memref<2600000xf32, #tpu.memory_space<hbm>>
      tpu.wait_indirect_dma semaphore(%arg11 : memref<!tpu.dma_semaphore, #tpu.memory_space<semaphore_mem>>) src(%dma_wait3A_521 : memref<2600000xf32, #tpu.memory_space<hbm>>) dst(%dma_wait3A_518 : memref<128xf32, #tpu.memory_space<vmem>>)
      %dma_wait3A_522 = arith.constant 256 : i32
      %dma_wait3A_523 = arith.constant 0 : i32
      %dma_wait3A_524 = tpu.memref_slice %arg8[%dma_wait3A_522, %dma_wait3A_523] : memref<1024x16xf32, #tpu.memory_space<vmem>> -> memref<128x16xf32, #tpu.memory_space<vmem>>
      %dma_wait3A_525 = tpu.memref_slice %arg7[%add3A_406] : memref<13312xi32, #tpu.memory_space<vmem>> -> memref<128xi32, #tpu.memory_space<vmem>>
      %dma_wait3A_526 = arith.constant 0 : i32
      %dma_wait3A_527 = arith.constant 0 : i32
      %dma_wait3A_528 = tpu.memref_slice %arg3[%dma_wait3A_526, %dma_wait3A_527] : memref<2629120x16xf32, #tpu.memory_space<hbm>> -> memref<2629120x16xf32, #tpu.memory_space<hbm>>
      tpu.wait_indirect_dma semaphore(%arg10 : memref<!tpu.dma_semaphore, #tpu.memory_space<semaphore_mem>>) src(%dma_wait3A_528 : memref<2629120x16xf32, #tpu.memory_space<hbm>>) dst(%dma_wait3A_524 : memref<128x16xf32, #tpu.memory_space<vmem>>)
      %dma_wait3A_529 = arith.constant 256 : i32
      %dma_wait3A_530 = tpu.memref_slice %arg9[%dma_wait3A_529] : memref<1024xf32, #tpu.memory_space<vmem>> -> memref<128xf32, #tpu.memory_space<vmem>>
      %dma_wait3A_531 = tpu.memref_slice %arg7[%add3A_406] : memref<13312xi32, #tpu.memory_space<vmem>> -> memref<128xi32, #tpu.memory_space<vmem>>
      %dma_wait3A_532 = arith.constant 0 : i32
      %dma_wait3A_533 = tpu.memref_slice %arg4[%dma_wait3A_532] : memref<2600000xf32, #tpu.memory_space<hbm>> -> memref<2600000xf32, #tpu.memory_space<hbm>>
      tpu.wait_indirect_dma semaphore(%arg11 : memref<!tpu.dma_semaphore, #tpu.memory_space<semaphore_mem>>) src(%dma_wait3A_533 : memref<2600000xf32, #tpu.memory_space<hbm>>) dst(%dma_wait3A_530 : memref<128xf32, #tpu.memory_space<vmem>>)
      %dma_wait3A_534 = arith.constant 384 : i32
      %dma_wait3A_535 = arith.constant 0 : i32
      %dma_wait3A_536 = tpu.memref_slice %arg8[%dma_wait3A_534, %dma_wait3A_535] : memref<1024x16xf32, #tpu.memory_space<vmem>> -> memref<128x16xf32, #tpu.memory_space<vmem>>
      %dma_wait3A_537 = tpu.memref_slice %arg7[%add3A_422] : memref<13312xi32, #tpu.memory_space<vmem>> -> memref<128xi32, #tpu.memory_space<vmem>>
      %dma_wait3A_538 = arith.constant 0 : i32
      %dma_wait3A_539 = arith.constant 0 : i32
      %dma_wait3A_540 = tpu.memref_slice %arg3[%dma_wait3A_538, %dma_wait3A_539] : memref<2629120x16xf32, #tpu.memory_space<hbm>> -> memref<2629120x16xf32, #tpu.memory_space<hbm>>
      tpu.wait_indirect_dma semaphore(%arg10 : memref<!tpu.dma_semaphore, #tpu.memory_space<semaphore_mem>>) src(%dma_wait3A_540 : memref<2629120x16xf32, #tpu.memory_space<hbm>>) dst(%dma_wait3A_536 : memref<128x16xf32, #tpu.memory_space<vmem>>)
      %dma_wait3A_541 = arith.constant 384 : i32
      %dma_wait3A_542 = tpu.memref_slice %arg9[%dma_wait3A_541] : memref<1024xf32, #tpu.memory_space<vmem>> -> memref<128xf32, #tpu.memory_space<vmem>>
      %dma_wait3A_543 = tpu.memref_slice %arg7[%add3A_422] : memref<13312xi32, #tpu.memory_space<vmem>> -> memref<128xi32, #tpu.memory_space<vmem>>
      %dma_wait3A_544 = arith.constant 0 : i32
      %dma_wait3A_545 = tpu.memref_slice %arg4[%dma_wait3A_544] : memref<2600000xf32, #tpu.memory_space<hbm>> -> memref<2600000xf32, #tpu.memory_space<hbm>>
      tpu.wait_indirect_dma semaphore(%arg11 : memref<!tpu.dma_semaphore, #tpu.memory_space<semaphore_mem>>) src(%dma_wait3A_545 : memref<2600000xf32, #tpu.memory_space<hbm>>) dst(%dma_wait3A_542 : memref<128xf32, #tpu.memory_space<vmem>>)
      %dma_wait3A_546 = arith.constant 512 : i32
      %dma_wait3A_547 = arith.constant 0 : i32
      %dma_wait3A_548 = tpu.memref_slice %arg8[%dma_wait3A_546, %dma_wait3A_547] : memref<1024x16xf32, #tpu.memory_space<vmem>> -> memref<128x16xf32, #tpu.memory_space<vmem>>
      %dma_wait3A_549 = tpu.memref_slice %arg7[%add3A_438] : memref<13312xi32, #tpu.memory_space<vmem>> -> memref<128xi32, #tpu.memory_space<vmem>>
      %dma_wait3A_550 = arith.constant 0 : i32
      %dma_wait3A_551 = arith.constant 0 : i32
      %dma_wait3A_552 = tpu.memref_slice %arg3[%dma_wait3A_550, %dma_wait3A_551] : memref<2629120x16xf32, #tpu.memory_space<hbm>> -> memref<2629120x16xf32, #tpu.memory_space<hbm>>
      tpu.wait_indirect_dma semaphore(%arg10 : memref<!tpu.dma_semaphore, #tpu.memory_space<semaphore_mem>>) src(%dma_wait3A_552 : memref<2629120x16xf32, #tpu.memory_space<hbm>>) dst(%dma_wait3A_548 : memref<128x16xf32, #tpu.memory_space<vmem>>)
      %dma_wait3A_553 = arith.constant 512 : i32
      %dma_wait3A_554 = tpu.memref_slice %arg9[%dma_wait3A_553] : memref<1024xf32, #tpu.memory_space<vmem>> -> memref<128xf32, #tpu.memory_space<vmem>>
      %dma_wait3A_555 = tpu.memref_slice %arg7[%add3A_438] : memref<13312xi32, #tpu.memory_space<vmem>> -> memref<128xi32, #tpu.memory_space<vmem>>
      %dma_wait3A_556 = arith.constant 0 : i32
      %dma_wait3A_557 = tpu.memref_slice %arg4[%dma_wait3A_556] : memref<2600000xf32, #tpu.memory_space<hbm>> -> memref<2600000xf32, #tpu.memory_space<hbm>>
      tpu.wait_indirect_dma semaphore(%arg11 : memref<!tpu.dma_semaphore, #tpu.memory_space<semaphore_mem>>) src(%dma_wait3A_557 : memref<2600000xf32, #tpu.memory_space<hbm>>) dst(%dma_wait3A_554 : memref<128xf32, #tpu.memory_space<vmem>>)
      %dma_wait3A_558 = arith.constant 640 : i32
      %dma_wait3A_559 = arith.constant 0 : i32
      %dma_wait3A_560 = tpu.memref_slice %arg8[%dma_wait3A_558, %dma_wait3A_559] : memref<1024x16xf32, #tpu.memory_space<vmem>> -> memref<128x16xf32, #tpu.memory_space<vmem>>
      %dma_wait3A_561 = tpu.memref_slice %arg7[%add3A_454] : memref<13312xi32, #tpu.memory_space<vmem>> -> memref<128xi32, #tpu.memory_space<vmem>>
      %dma_wait3A_562 = arith.constant 0 : i32
      %dma_wait3A_563 = arith.constant 0 : i32
      %dma_wait3A_564 = tpu.memref_slice %arg3[%dma_wait3A_562, %dma_wait3A_563] : memref<2629120x16xf32, #tpu.memory_space<hbm>> -> memref<2629120x16xf32, #tpu.memory_space<hbm>>
      tpu.wait_indirect_dma semaphore(%arg10 : memref<!tpu.dma_semaphore, #tpu.memory_space<semaphore_mem>>) src(%dma_wait3A_564 : memref<2629120x16xf32, #tpu.memory_space<hbm>>) dst(%dma_wait3A_560 : memref<128x16xf32, #tpu.memory_space<vmem>>)
      %dma_wait3A_565 = arith.constant 640 : i32
      %dma_wait3A_566 = tpu.memref_slice %arg9[%dma_wait3A_565] : memref<1024xf32, #tpu.memory_space<vmem>> -> memref<128xf32, #tpu.memory_space<vmem>>
      %dma_wait3A_567 = tpu.memref_slice %arg7[%add3A_454] : memref<13312xi32, #tpu.memory_space<vmem>> -> memref<128xi32, #tpu.memory_space<vmem>>
      %dma_wait3A_568 = arith.constant 0 : i32
      %dma_wait3A_569 = tpu.memref_slice %arg4[%dma_wait3A_568] : memref<2600000xf32, #tpu.memory_space<hbm>> -> memref<2600000xf32, #tpu.memory_space<hbm>>
      tpu.wait_indirect_dma semaphore(%arg11 : memref<!tpu.dma_semaphore, #tpu.memory_space<semaphore_mem>>) src(%dma_wait3A_569 : memref<2600000xf32, #tpu.memory_space<hbm>>) dst(%dma_wait3A_566 : memref<128xf32, #tpu.memory_space<vmem>>)
      %dma_wait3A_570 = arith.constant 768 : i32
      %dma_wait3A_571 = arith.constant 0 : i32
      %dma_wait3A_572 = tpu.memref_slice %arg8[%dma_wait3A_570, %dma_wait3A_571] : memref<1024x16xf32, #tpu.memory_space<vmem>> -> memref<128x16xf32, #tpu.memory_space<vmem>>
      %dma_wait3A_573 = tpu.memref_slice %arg7[%add3A_470] : memref<13312xi32, #tpu.memory_space<vmem>> -> memref<128xi32, #tpu.memory_space<vmem>>
      %dma_wait3A_574 = arith.constant 0 : i32
      %dma_wait3A_575 = arith.constant 0 : i32
      %dma_wait3A_576 = tpu.memref_slice %arg3[%dma_wait3A_574, %dma_wait3A_575] : memref<2629120x16xf32, #tpu.memory_space<hbm>> -> memref<2629120x16xf32, #tpu.memory_space<hbm>>
      tpu.wait_indirect_dma semaphore(%arg10 : memref<!tpu.dma_semaphore, #tpu.memory_space<semaphore_mem>>) src(%dma_wait3A_576 : memref<2629120x16xf32, #tpu.memory_space<hbm>>) dst(%dma_wait3A_572 : memref<128x16xf32, #tpu.memory_space<vmem>>)
      %dma_wait3A_577 = arith.constant 768 : i32
      %dma_wait3A_578 = tpu.memref_slice %arg9[%dma_wait3A_577] : memref<1024xf32, #tpu.memory_space<vmem>> -> memref<128xf32, #tpu.memory_space<vmem>>
      %dma_wait3A_579 = tpu.memref_slice %arg7[%add3A_470] : memref<13312xi32, #tpu.memory_space<vmem>> -> memref<128xi32, #tpu.memory_space<vmem>>
      %dma_wait3A_580 = arith.constant 0 : i32
      %dma_wait3A_581 = tpu.memref_slice %arg4[%dma_wait3A_580] : memref<2600000xf32, #tpu.memory_space<hbm>> -> memref<2600000xf32, #tpu.memory_space<hbm>>
      tpu.wait_indirect_dma semaphore(%arg11 : memref<!tpu.dma_semaphore, #tpu.memory_space<semaphore_mem>>) src(%dma_wait3A_581 : memref<2600000xf32, #tpu.memory_space<hbm>>) dst(%dma_wait3A_578 : memref<128xf32, #tpu.memory_space<vmem>>)
      %dma_wait3A_582 = arith.constant 896 : i32
      %dma_wait3A_583 = arith.constant 0 : i32
      %dma_wait3A_584 = tpu.memref_slice %arg8[%dma_wait3A_582, %dma_wait3A_583] : memref<1024x16xf32, #tpu.memory_space<vmem>> -> memref<128x16xf32, #tpu.memory_space<vmem>>
      %dma_wait3A_585 = tpu.memref_slice %arg7[%add3A_486] : memref<13312xi32, #tpu.memory_space<vmem>> -> memref<128xi32, #tpu.memory_space<vmem>>
      %dma_wait3A_586 = arith.constant 0 : i32
      %dma_wait3A_587 = arith.constant 0 : i32
      %dma_wait3A_588 = tpu.memref_slice %arg3[%dma_wait3A_586, %dma_wait3A_587] : memref<2629120x16xf32, #tpu.memory_space<hbm>> -> memref<2629120x16xf32, #tpu.memory_space<hbm>>
      tpu.wait_indirect_dma semaphore(%arg10 : memref<!tpu.dma_semaphore, #tpu.memory_space<semaphore_mem>>) src(%dma_wait3A_588 : memref<2629120x16xf32, #tpu.memory_space<hbm>>) dst(%dma_wait3A_584 : memref<128x16xf32, #tpu.memory_space<vmem>>)
      %dma_wait3A_589 = arith.constant 896 : i32
      %dma_wait3A_590 = tpu.memref_slice %arg9[%dma_wait3A_589] : memref<1024xf32, #tpu.memory_space<vmem>> -> memref<128xf32, #tpu.memory_space<vmem>>
      %dma_wait3A_591 = tpu.memref_slice %arg7[%add3A_486] : memref<13312xi32, #tpu.memory_space<vmem>> -> memref<128xi32, #tpu.memory_space<vmem>>
      %dma_wait3A_592 = arith.constant 0 : i32
      %dma_wait3A_593 = tpu.memref_slice %arg4[%dma_wait3A_592] : memref<2600000xf32, #tpu.memory_space<hbm>> -> memref<2600000xf32, #tpu.memory_space<hbm>>
      tpu.wait_indirect_dma semaphore(%arg11 : memref<!tpu.dma_semaphore, #tpu.memory_space<semaphore_mem>>) src(%dma_wait3A_593 : memref<2600000xf32, #tpu.memory_space<hbm>>) dst(%dma_wait3A_590 : memref<128xf32, #tpu.memory_space<vmem>>)
      %mul3A_594 = arith.constant 1024 : i32
      %mul3A_595 = arith.muli %scan3A_371, %mul3A_594 : i32
      %add3A_596 = arith.addi %mul3A_2, %mul3A_595 : i32
      "tpu.region"() ({
        %run_scoped3A = tpu.sem_alloc : memref<!tpu.dma_semaphore, #tpu.memory_space<semaphore_mem>>
        %dma_start3A_600 = arith.constant 0 : i32
        %dma_start3A_601 = tpu.memref_slice %arg5[%add3A_596, %dma_start3A_600] : memref<425984x16xf32, #tpu.memory_space<hbm>> -> memref<1024x16xf32, #tpu.memory_space<hbm>>
        %dma_start3A_602 = arith.constant 0 : i32
        %dma_start3A_603 = tpu.memref_slice %arg5[%add3A_596, %dma_start3A_602] : memref<425984x16xf32, #tpu.memory_space<hbm>> -> memref<1024x16xf32, #tpu.memory_space<hbm>>
        tpu.enqueue_dma source(%arg8 : memref<1024x16xf32, #tpu.memory_space<vmem>>) target(%dma_start3A_603 : memref<1024x16xf32, #tpu.memory_space<hbm>>) target_semaphore(%run_scoped3A : memref<!tpu.dma_semaphore, #tpu.memory_space<semaphore_mem>>)
        %dma_wait3A_604 = arith.constant 0 : i32
        %dma_wait3A_605 = tpu.memref_slice %arg5[%add3A_596, %dma_wait3A_604] : memref<425984x16xf32, #tpu.memory_space<hbm>> -> memref<1024x16xf32, #tpu.memory_space<hbm>>
        %dma_wait3A_606 = arith.constant 0 : i32
        %dma_wait3A_607 = tpu.memref_slice %arg5[%add3A_596, %dma_wait3A_606] : memref<425984x16xf32, #tpu.memory_space<hbm>> -> memref<1024x16xf32, #tpu.memory_space<hbm>>
        tpu.wait_dma2 semaphore(%run_scoped3A : memref<!tpu.dma_semaphore, #tpu.memory_space<semaphore_mem>>) src(%arg8 : memref<1024x16xf32, #tpu.memory_space<vmem>>) dst(%dma_wait3A_607 : memref<1024x16xf32, #tpu.memory_space<hbm>>)
        tpu.yield
      }) : () -> ()
      %mul3A_597 = arith.constant 1024 : i32
      %mul3A_598 = arith.muli %scan3A_371, %mul3A_597 : i32
      %add3A_599 = arith.addi %mul3A_2, %mul3A_598 : i32
      "tpu.region"() ({
        %run_scoped3A = tpu.sem_alloc : memref<!tpu.dma_semaphore, #tpu.memory_space<semaphore_mem>>
        %dma_start3A_600 = tpu.memref_slice %arg6[%add3A_599] : memref<425984xf32, #tpu.memory_space<hbm>> -> memref<1024xf32, #tpu.memory_space<hbm>>
        %dma_start3A_601 = tpu.memref_slice %arg6[%add3A_599] : memref<425984xf32, #tpu.memory_space<hbm>> -> memref<1024xf32, #tpu.memory_space<hbm>>
        tpu.enqueue_dma source(%arg9 : memref<1024xf32, #tpu.memory_space<vmem>>) target(%dma_start3A_601 : memref<1024xf32, #tpu.memory_space<hbm>>) target_semaphore(%run_scoped3A : memref<!tpu.dma_semaphore, #tpu.memory_space<semaphore_mem>>)
        %dma_wait3A_602 = tpu.memref_slice %arg6[%add3A_599] : memref<425984xf32, #tpu.memory_space<hbm>> -> memref<1024xf32, #tpu.memory_space<hbm>>
        %dma_wait3A_603 = tpu.memref_slice %arg6[%add3A_599] : memref<425984xf32, #tpu.memory_space<hbm>> -> memref<1024xf32, #tpu.memory_space<hbm>>
        tpu.wait_dma2 semaphore(%run_scoped3A : memref<!tpu.dma_semaphore, #tpu.memory_space<semaphore_mem>>) src(%arg9 : memref<1024xf32, #tpu.memory_space<vmem>>) dst(%dma_wait3A_603 : memref<1024xf32, #tpu.memory_space<hbm>>)
        tpu.yield
      }) : () -> ()
    }
    %scan3A_370 = arith.constant 13 : i32
    return
  }
}

module attributes {stable_mosaic.version = 14 : i64} {
  func.func @_tc_a_body(%arg0: i32, %arg1: memref<1024x416xf32, #tpu.memory_space<vmem>>, %arg2: memref<1024x13xf32, #tpu.memory_space<vmem>>, %arg3: memref<1024x26xf32, #tpu.memory_space<vmem>>, %arg4: memref<624x64xf32, #tpu.memory_space<vmem>>, %arg5: memref<1x64xf32, #tpu.memory_space<vmem>>, %arg6: memref<13x16xf32, #tpu.memory_space<vmem>>, %arg7: memref<208x1xf32, #tpu.memory_space<vmem>>, %arg8: memref<1x13xf32, #tpu.memory_space<vmem>>, %arg9: memref<1x13xf32, #tpu.memory_space<vmem>>, %arg10: memref<1x1xf32, #tpu.memory_space<vmem>>, %arg11: memref<1024x64xf32, #tpu.memory_space<vmem>>, %arg12: memref<1024x1xf32, #tpu.memory_space<vmem>>) attributes {dimension_semantics = [#tpu.dimension_semantics<parallel>], iteration_bounds = array<i64: 16>, scalar_prefetch = 0 : i64, scratch_operands = 0 : i64, tpu.core_type = #tpu.core_type<tc>, window_params = [{transform_indices = @transform_0, window_bounds = array<i64: 1024, 416>}, {transform_indices = @transform_1, window_bounds = array<i64: 1024, 13>}, {transform_indices = @transform_2, window_bounds = array<i64: 1024, 26>}, {pipeline_mode = #tpu.pipeline_mode<synchronous>, transform_indices = @transform_3, window_bounds = array<i64: 624, 64>}, {pipeline_mode = #tpu.pipeline_mode<synchronous>, transform_indices = @transform_4, window_bounds = array<i64: 1, 64>}, {pipeline_mode = #tpu.pipeline_mode<synchronous>, transform_indices = @transform_5, window_bounds = array<i64: 13, 16>}, {pipeline_mode = #tpu.pipeline_mode<synchronous>, transform_indices = @transform_6, window_bounds = array<i64: 208, 1>}, {pipeline_mode = #tpu.pipeline_mode<synchronous>, transform_indices = @transform_7, window_bounds = array<i64: 1, 13>}, {pipeline_mode = #tpu.pipeline_mode<synchronous>, transform_indices = @transform_8, window_bounds = array<i64: 1, 13>}, {pipeline_mode = #tpu.pipeline_mode<synchronous>, transform_indices = @transform_9, window_bounds = array<i64: 1, 1>}, {transform_indices = @transform_10, window_bounds = array<i64: 1024, 64>}, {transform_indices = @transform_11, window_bounds = array<i64: 1024, 1>}]} {
    %get3A = arith.constant 0 : index
    %get3A_0 = arith.constant 0 : index
    %get3A_1 = vector.load %arg1[%get3A, %get3A_0] : memref<1024x416xf32, #tpu.memory_space<vmem>>, vector<1024x416xf32>
    %get3A_2 = arith.constant 0 : index
    %get3A_3 = arith.constant 0 : index
    %get3A_4 = vector.load %arg2[%get3A_2, %get3A_3] : memref<1024x13xf32, #tpu.memory_space<vmem>>, vector<1024x13xf32>
    %get3A_5 = arith.constant 0 : index
    %get3A_6 = arith.constant 0 : index
    %get3A_7 = vector.load %arg6[%get3A_5, %get3A_6] : memref<13x16xf32, #tpu.memory_space<vmem>>, vector<13x16xf32>
    %iota3A = tpu.iota {dimensions = array<i32: 0>} : vector<416x16xi32>
    %iota3A_8 = tpu.iota {dimensions = array<i32: 1>} : vector<416x16xi32>
    %jit3A = arith.constant 16 : i32
    %eq3A = arith.constant 0 : i32
    %eq3A_9 = arith.cmpi eq, %jit3A, %eq3A : i32
    %jit3A_10 = arith.constant 1 : i32
    %select_n3A = arith.select %eq3A_9, %jit3A_10, %jit3A : i32
    %rem3A = vector.broadcast %select_n3A : i32 to vector<416x16xi32>
    %rem3A_11 = arith.remsi %iota3A, %rem3A : vector<416x16xi32>
    %ne3A = arith.constant 0 : i32
    %ne3A_12 = vector.broadcast %ne3A : i32 to vector<416x16xi32>
    %ne3A_13 = arith.cmpi ne, %rem3A_11, %ne3A_12 : vector<416x16xi32>
    %lt3A = arith.constant 0 : i32
    %lt3A_14 = vector.broadcast %lt3A : i32 to vector<416x16xi32>
    %lt3A_15 = arith.cmpi slt, %rem3A_11, %lt3A_14 : vector<416x16xi32>
    %lt3A_16 = arith.constant 0 : i32
    %lt3A_17 = arith.cmpi slt, %select_n3A, %lt3A_16 : i32
    %ne3A_18 = vector.broadcast %lt3A_17 : i1 to vector<416x16xi1>
    %ne3A_19 = vector.broadcast %ne3A_18 : vector<416x16xi1> to vector<416x16xi1>
    %ne3A_20 = arith.xori %lt3A_15, %ne3A_19 : vector<416x16xi1>
    %and3A = arith.andi %ne3A_20, %ne3A_13 : vector<416x16xi1>
    %add3A = vector.broadcast %select_n3A : i32 to vector<416x16xi32>
    %add3A_21 = arith.addi %rem3A_11, %add3A : vector<416x16xi32>
    %select_n3A_22 = arith.select %and3A, %add3A_21, %rem3A_11 : vector<416x16xi1>, vector<416x16xi32>
    %eq3A_23 = arith.cmpi eq, %select_n3A_22, %iota3A_8 : vector<416x16xi32>
    %convert_element_type3A = arith.extui %eq3A_23 : vector<416x16xi1> to vector<416x16xi32>
    %convert_element_type3A_24 = arith.sitofp %convert_element_type3A : vector<416x16xi32> to vector<416x16xf32>
    %dot_general3A = arith.constant dense<0.000000e+00> : vector<1024x16xf32>
    %dot_general3A_25 = tpu.matmul %get3A_1, %convert_element_type3A_24, %dot_general3A {dimension_numbers = #tpu.dot_dimension_numbers<[1], [0], [0], [1], [0, 0, 1, 1], [], []>, transpose_lhs_hint = false} : vector<1024x416xf32>, vector<416x16xf32>, vector<1024x16xf32> -> vector<1024x16xf32>
    %dot_general3A_26 = arith.constant dense<0.000000e+00> : vector<1024x16xf32>
    %dot_general3A_27 = tpu.matmul %get3A_4, %get3A_7, %dot_general3A_26 {dimension_numbers = #tpu.dot_dimension_numbers<[1], [0], [0], [1], [0, 0, 1, 1], [], []>, transpose_lhs_hint = false} : vector<1024x13xf32>, vector<13x16xf32>, vector<1024x16xf32> -> vector<1024x16xf32>
    %add3A_28 = arith.addf %dot_general3A_25, %dot_general3A_27 : vector<1024x16xf32>
    %mul3A = arith.mulf %get3A_1, %get3A_1 : vector<1024x416xf32>
    %dot_general3A_29 = arith.constant dense<0.000000e+00> : vector<1024x16xf32>
    %dot_general3A_30 = tpu.matmul %mul3A, %convert_element_type3A_24, %dot_general3A_29 {dimension_numbers = #tpu.dot_dimension_numbers<[1], [0], [0], [1], [0, 0, 1, 1], [], []>, transpose_lhs_hint = false} : vector<1024x416xf32>, vector<416x16xf32>, vector<1024x16xf32> -> vector<1024x16xf32>
    %mul3A_31 = arith.mulf %get3A_4, %get3A_4 : vector<1024x13xf32>
    %mul3A_32 = arith.mulf %get3A_7, %get3A_7 : vector<13x16xf32>
    %dot_general3A_33 = arith.constant dense<0.000000e+00> : vector<1024x16xf32>
    %dot_general3A_34 = tpu.matmul %mul3A_31, %mul3A_32, %dot_general3A_33 {dimension_numbers = #tpu.dot_dimension_numbers<[1], [0], [0], [1], [0, 0, 1, 1], [], []>, transpose_lhs_hint = false} : vector<1024x13xf32>, vector<13x16xf32>, vector<1024x16xf32> -> vector<1024x16xf32>
    %add3A_35 = arith.addf %dot_general3A_30, %dot_general3A_34 : vector<1024x16xf32>
    %mul3A_36 = arith.mulf %add3A_28, %add3A_28 : vector<1024x16xf32>
    %sub3A = arith.subf %mul3A_36, %add3A_35 : vector<1024x16xf32>
    %reduce_sum3A = arith.constant dense<0.000000e+00> : vector<1024xf32>
    %reduce_sum3A_37 = vector.multi_reduction <add>, %sub3A, %reduce_sum3A [1] : vector<1024x16xf32> to vector<1024xf32>
    %broadcast_in_dim3A = vector.shape_cast %reduce_sum3A_37 : vector<1024xf32> to vector<1024x1xf32>
    %mul3A_38 = arith.constant 5.000000e-01 : f32
    %mul3A_39 = vector.broadcast %mul3A_38 : f32 to vector<1024x1xf32>
    %mul3A_40 = arith.mulf %mul3A_39, %broadcast_in_dim3A : vector<1024x1xf32>
    %get3A_41 = arith.constant 0 : index
    %get3A_42 = arith.constant 0 : index
    %get3A_43 = vector.load %arg3[%get3A_41, %get3A_42] : memref<1024x26xf32, #tpu.memory_space<vmem>>, vector<1024x26xf32>
    %reduce_sum3A_44 = arith.constant dense<0.000000e+00> : vector<1024xf32>
    %reduce_sum3A_45 = vector.multi_reduction <add>, %get3A_43, %reduce_sum3A_44 [1] : vector<1024x26xf32> to vector<1024xf32>
    %broadcast_in_dim3A_46 = vector.shape_cast %reduce_sum3A_45 : vector<1024xf32> to vector<1024x1xf32>
    %get3A_47 = arith.constant 0 : index
    %get3A_48 = arith.constant 0 : index
    %get3A_49 = vector.load %arg8[%get3A_47, %get3A_48] : memref<1x13xf32, #tpu.memory_space<vmem>>, vector<1x13xf32>
    %mul3A_50 = vector.broadcast %get3A_49 : vector<1x13xf32> to vector<1024x13xf32>
    %mul3A_51 = arith.mulf %get3A_4, %mul3A_50 : vector<1024x13xf32>
    %get3A_52 = arith.constant 0 : index
    %get3A_53 = arith.constant 0 : index
    %get3A_54 = vector.load %arg9[%get3A_52, %get3A_53] : memref<1x13xf32, #tpu.memory_space<vmem>>, vector<1x13xf32>
    %add3A_55 = vector.broadcast %get3A_54 : vector<1x13xf32> to vector<1024x13xf32>
    %add3A_56 = arith.addf %mul3A_51, %add3A_55 : vector<1024x13xf32>
    %reduce_sum3A_57 = arith.constant dense<0.000000e+00> : vector<1024xf32>
    %reduce_sum3A_58 = vector.multi_reduction <add>, %add3A_56, %reduce_sum3A_57 [1] : vector<1024x13xf32> to vector<1024xf32>
    %broadcast_in_dim3A_59 = vector.shape_cast %reduce_sum3A_58 : vector<1024xf32> to vector<1024x1xf32>
    %add3A_60 = arith.addf %broadcast_in_dim3A_46, %broadcast_in_dim3A_59 : vector<1024x1xf32>
    %get3A_61 = arith.constant 0 : index
    %get3A_62 = arith.constant 0 : index
    %get3A_63 = vector.load %arg10[%get3A_61, %get3A_62] : memref<1x1xf32, #tpu.memory_space<vmem>>, vector<1x1xf32>
    %add3A_64 = vector.broadcast %get3A_63 : vector<1x1xf32> to vector<1024x1xf32>
    %add3A_65 = arith.addf %add3A_60, %add3A_64 : vector<1024x1xf32>
    %add3A_66 = arith.addf %add3A_65, %mul3A_40 : vector<1024x1xf32>
    %swap3A = arith.constant 0 : index
    %swap3A_67 = arith.constant 0 : index
    %swap3A_68 = vector.load %arg12[%swap3A, %swap3A_67] : memref<1024x1xf32, #tpu.memory_space<vmem>>, vector<1024x1xf32>
    tpu.vector_store %arg12[%swap3A, %swap3A_67], %add3A_66 {strides = array<i32>} : memref<1024x1xf32, #tpu.memory_space<vmem>>, vector<1024x1xf32>,
    %get3A_69 = arith.constant 0 : index
    %get3A_70 = arith.constant 0 : index
    %get3A_71 = vector.load %arg4[%get3A_69, %get3A_70] : memref<624x64xf32, #tpu.memory_space<vmem>>, vector<624x64xf32>
    %slice3A = vector.extract_strided_slice %get3A_71 {offsets = [0, 0], sizes = [416, 64], strides = [1, 1]} : vector<624x64xf32> to vector<416x64xf32>
    %slice3A_72 = vector.extract_strided_slice %get3A_71 {offsets = [416, 0], sizes = [208, 64], strides = [1, 1]} : vector<624x64xf32> to vector<208x64xf32>
    %iota3A_73 = tpu.iota {dimensions = array<i32: 0>} : vector<13x208xi32>
    %iota3A_74 = tpu.iota {dimensions = array<i32: 1>} : vector<13x208xi32>
    %jit3A_75 = arith.constant 16 : i32
    %div3A = vector.broadcast %jit3A_75 : i32 to vector<13x208xi32>
    %div3A_76 = arith.divsi %iota3A_74, %div3A : vector<13x208xi32>
    %sign3A = arith.constant 0 : i32
    %sign3A_77 = vector.broadcast %sign3A : i32 to vector<13x208xi32>
    %sign3A_78 = arith.cmpi sgt, %iota3A_74, %sign3A_77 : vector<13x208xi32>
    %sign3A_79 = arith.extui %sign3A_78 : vector<13x208xi1> to vector<13x208xi32>
    %sign3A_80 = arith.constant 0 : i32
    %sign3A_81 = vector.broadcast %sign3A_80 : i32 to vector<13x208xi32>
    %sign3A_82 = arith.cmpi slt, %iota3A_74, %sign3A_81 : vector<13x208xi32>
    %sign3A_83 = arith.extui %sign3A_82 : vector<13x208xi1> to vector<13x208xi32>
    %sign3A_84 = arith.subi %sign3A_79, %sign3A_83 : vector<13x208xi32>
    %sign3A_85 = arith.constant 0 : i32
    %sign3A_86 = arith.cmpi sgt, %jit3A_75, %sign3A_85 : i32
    %sign3A_87 = arith.extui %sign3A_86 : i1 to i32
    %sign3A_88 = arith.constant 0 : i32
    %sign3A_89 = arith.cmpi slt, %jit3A_75, %sign3A_88 : i32
    %sign3A_90 = arith.extui %sign3A_89 : i1 to i32
    %sign3A_91 = arith.subi %sign3A_87, %sign3A_90 : i32
    %ne3A_92 = vector.broadcast %sign3A_91 : i32 to vector<13x208xi32>
    %ne3A_93 = arith.cmpi ne, %sign3A_84, %ne3A_92 : vector<13x208xi32>
    %rem3A_94 = vector.broadcast %jit3A_75 : i32 to vector<13x208xi32>
    %rem3A_95 = arith.remsi %iota3A_74, %rem3A_94 : vector<13x208xi32>
    %ne3A_96 = arith.constant 0 : i32
    %ne3A_97 = vector.broadcast %ne3A_96 : i32 to vector<13x208xi32>
    %ne3A_98 = arith.cmpi ne, %rem3A_95, %ne3A_97 : vector<13x208xi32>
    %and3A_99 = arith.andi %ne3A_93, %ne3A_98 : vector<13x208xi1>
    %sub3A_100 = arith.constant 1 : i32
    %sub3A_101 = vector.broadcast %sub3A_100 : i32 to vector<13x208xi32>
    %sub3A_102 = arith.subi %div3A_76, %sub3A_101 : vector<13x208xi32>
    %select_n3A_103 = arith.select %and3A_99, %sub3A_102, %div3A_76 : vector<13x208xi1>, vector<13x208xi32>
    %eq3A_104 = arith.cmpi eq, %select_n3A_103, %iota3A_73 : vector<13x208xi32>
    %convert_element_type3A_105 = arith.extui %eq3A_104 : vector<13x208xi1> to vector<13x208xi32>
    %convert_element_type3A_106 = arith.sitofp %convert_element_type3A_105 : vector<13x208xi32> to vector<13x208xf32>
    %get3A_107 = arith.constant 0 : index
    %get3A_108 = arith.constant 0 : index
    %get3A_109 = vector.load %arg7[%get3A_107, %get3A_108] : memref<208x1xf32, #tpu.memory_space<vmem>>, vector<208x1xf32>
    %mul3A_110 = vector.broadcast %get3A_109 : vector<208x1xf32> to vector<208x64xf32>
    %mul3A_111 = arith.mulf %mul3A_110, %slice3A_72 : vector<208x64xf32>
    %dot_general3A_112 = arith.constant dense<0.000000e+00> : vector<13x64xf32>
    %dot_general3A_113 = tpu.matmul %convert_element_type3A_106, %mul3A_111, %dot_general3A_112 {dimension_numbers = #tpu.dot_dimension_numbers<[1], [0], [0], [1], [0, 0, 1, 1], [], []>, transpose_lhs_hint = false} : vector<13x208xf32>, vector<208x64xf32>, vector<13x64xf32> -> vector<13x64xf32>
    %dot_general3A_114 = arith.constant dense<0.000000e+00> : vector<1024x64xf32>
    %dot_general3A_115 = tpu.matmul %get3A_1, %slice3A, %dot_general3A_114 {dimension_numbers = #tpu.dot_dimension_numbers<[1], [0], [0], [1], [0, 0, 1, 1], [], []>, transpose_lhs_hint = false} : vector<1024x416xf32>, vector<416x64xf32>, vector<1024x64xf32> -> vector<1024x64xf32>
    %dot_general3A_116 = arith.constant dense<0.000000e+00> : vector<1024x64xf32>
    %dot_general3A_117 = tpu.matmul %get3A_4, %dot_general3A_113, %dot_general3A_116 {dimension_numbers = #tpu.dot_dimension_numbers<[1], [0], [0], [1], [0, 0, 1, 1], [], []>, transpose_lhs_hint = false} : vector<1024x13xf32>, vector<13x64xf32>, vector<1024x64xf32> -> vector<1024x64xf32>
    %add3A_118 = arith.addf %dot_general3A_115, %dot_general3A_117 : vector<1024x64xf32>
    %get3A_119 = arith.constant 0 : index
    %get3A_120 = arith.constant 0 : index
    %get3A_121 = vector.load %arg5[%get3A_119, %get3A_120] : memref<1x64xf32, #tpu.memory_space<vmem>>, vector<1x64xf32>
    %add3A_122 = vector.broadcast %get3A_121 : vector<1x64xf32> to vector<1024x64xf32>
    %add3A_123 = arith.addf %add3A_118, %add3A_122 : vector<1024x64xf32>
    %swap3A_124 = arith.constant 0 : index
    %swap3A_125 = arith.constant 0 : index
    %swap3A_126 = vector.load %arg11[%swap3A_124, %swap3A_125] : memref<1024x64xf32, #tpu.memory_space<vmem>>, vector<1024x64xf32>
    tpu.vector_store %arg11[%swap3A_124, %swap3A_125], %add3A_123 {strides = array<i32>} : memref<1024x64xf32, #tpu.memory_space<vmem>>, vector<1024x64xf32>,
    return
  }
  func.func @transform_0(%arg0: i32) -> (i32, i32) {
    %c0_i32 = arith.constant 0 : i32
    %c0_i32_0 = arith.constant 0 : i32
    return %arg0, %c0_i32 : i32, i32
  }
  func.func @transform_1(%arg0: i32) -> (i32, i32) {
    %c0_i32 = arith.constant 0 : i32
    %c0_i32_0 = arith.constant 0 : i32
    return %arg0, %c0_i32 : i32, i32
  }
  func.func @transform_2(%arg0: i32) -> (i32, i32) {
    %c0_i32 = arith.constant 0 : i32
    %c0_i32_0 = arith.constant 0 : i32
    return %arg0, %c0_i32 : i32, i32
  }
  func.func @transform_3(%arg0: i32) -> (i32, i32) {
    %c0_i32 = arith.constant 0 : i32
    %c0_i32_0 = arith.constant 0 : i32
    %c0_i32_1 = arith.constant 0 : i32
    return %c0_i32, %c0_i32_0 : i32, i32
  }
  func.func @transform_4(%arg0: i32) -> (i32, i32) {
    %c0_i32 = arith.constant 0 : i32
    %c0_i32_0 = arith.constant 0 : i32
    %c0_i32_1 = arith.constant 0 : i32
    return %c0_i32, %c0_i32_0 : i32, i32
  }
  func.func @transform_5(%arg0: i32) -> (i32, i32) {
    %c0_i32 = arith.constant 0 : i32
    %c0_i32_0 = arith.constant 0 : i32
    %c0_i32_1 = arith.constant 0 : i32
    return %c0_i32, %c0_i32_0 : i32, i32
  }
  func.func @transform_6(%arg0: i32) -> (i32, i32) {
    %c0_i32 = arith.constant 0 : i32
    %c0_i32_0 = arith.constant 0 : i32
    %c0_i32_1 = arith.constant 0 : i32
    return %c0_i32, %c0_i32_0 : i32, i32
  }
  func.func @transform_7(%arg0: i32) -> (i32, i32) {
    %c0_i32 = arith.constant 0 : i32
    %c0_i32_0 = arith.constant 0 : i32
    %c0_i32_1 = arith.constant 0 : i32
    return %c0_i32, %c0_i32_0 : i32, i32
  }
  func.func @transform_8(%arg0: i32) -> (i32, i32) {
    %c0_i32 = arith.constant 0 : i32
    %c0_i32_0 = arith.constant 0 : i32
    %c0_i32_1 = arith.constant 0 : i32
    return %c0_i32, %c0_i32_0 : i32, i32
  }
  func.func @transform_9(%arg0: i32) -> (i32, i32) {
    %c0_i32 = arith.constant 0 : i32
    %c0_i32_0 = arith.constant 0 : i32
    %c0_i32_1 = arith.constant 0 : i32
    return %c0_i32, %c0_i32_0 : i32, i32
  }
  func.func @transform_10(%arg0: i32) -> (i32, i32) {
    %c0_i32 = arith.constant 0 : i32
    %c0_i32_0 = arith.constant 0 : i32
    return %arg0, %c0_i32 : i32, i32
  }
  func.func @transform_11(%arg0: i32) -> (i32, i32) {
    %c0_i32 = arith.constant 0 : i32
    %c0_i32_0 = arith.constant 0 : i32
    return %arg0, %c0_i32 : i32, i32
  }
}

module attributes {stable_mosaic.version = 14 : i64} {
  func.func @_tc_b_body(%arg0: memref<16384x64xf32, #tpu.memory_space<vmem>>, %arg1: memref<16384x1xf32, #tpu.memory_space<vmem>>, %arg2: memref<1x64xf32, #tpu.memory_space<vmem>>, %arg3: memref<1x64xf32, #tpu.memory_space<vmem>>, %arg4: memref<64x32xf32, #tpu.memory_space<vmem>>, %arg5: memref<1x32xf32, #tpu.memory_space<vmem>>, %arg6: memref<1x32xf32, #tpu.memory_space<vmem>>, %arg7: memref<1x32xf32, #tpu.memory_space<vmem>>, %arg8: memref<32x1xf32, #tpu.memory_space<vmem>>, %arg9: memref<1x1xf32, #tpu.memory_space<vmem>>, %arg10: memref<16384x1xf32, #tpu.memory_space<vmem>>) attributes {dimension_semantics = [], scalar_prefetch = 0 : i64, scratch_operands = 0 : i64, tpu.core_type = #tpu.core_type<tc>} {
    %get3A = arith.constant 0 : index
    %get3A_0 = arith.constant 0 : index
    %get3A_1 = vector.load %arg0[%get3A, %get3A_0] : memref<16384x64xf32, #tpu.memory_space<vmem>>, vector<16384x64xf32>
    %get3A_2 = arith.constant 0 : index
    %get3A_3 = arith.constant 0 : index
    %get3A_4 = vector.load %arg2[%get3A_2, %get3A_3] : memref<1x64xf32, #tpu.memory_space<vmem>>, vector<1x64xf32>
    %get3A_5 = arith.constant 0 : index
    %get3A_6 = arith.constant 0 : index
    %get3A_7 = vector.load %arg3[%get3A_5, %get3A_6] : memref<1x64xf32, #tpu.memory_space<vmem>>, vector<1x64xf32>
    %reduce_sum3A = arith.constant dense<0.000000e+00> : vector<64xf32>
    %reduce_sum3A_8 = vector.multi_reduction <add>, %get3A_1, %reduce_sum3A [0] : vector<16384x64xf32> to vector<64xf32>
    %broadcast_in_dim3A = vector.shape_cast %reduce_sum3A_8 : vector<64xf32> to vector<1x64xf32>
    %div3A = arith.constant 1.638400e+04 : f32
    %div3A_9 = vector.broadcast %div3A : f32 to vector<1x64xf32>
    %div3A_10 = arith.divf %broadcast_in_dim3A, %div3A_9 : vector<1x64xf32>
    %sub3A = vector.broadcast %div3A_10 : vector<1x64xf32> to vector<16384x64xf32>
    %sub3A_11 = arith.subf %get3A_1, %sub3A : vector<16384x64xf32>
    %integer_pow3A = arith.mulf %sub3A_11, %sub3A_11 : vector<16384x64xf32>
    %reduce_sum3A_12 = arith.constant dense<0.000000e+00> : vector<64xf32>
    %reduce_sum3A_13 = vector.multi_reduction <add>, %integer_pow3A, %reduce_sum3A_12 [0] : vector<16384x64xf32> to vector<64xf32>
    %broadcast_in_dim3A_14 = vector.shape_cast %reduce_sum3A_13 : vector<64xf32> to vector<1x64xf32>
    %div3A_15 = arith.constant 1.638400e+04 : f32
    %div3A_16 = vector.broadcast %div3A_15 : f32 to vector<1x64xf32>
    %div3A_17 = arith.divf %broadcast_in_dim3A_14, %div3A_16 : vector<1x64xf32>
    %sub3A_18 = vector.broadcast %div3A_10 : vector<1x64xf32> to vector<16384x64xf32>
    %sub3A_19 = arith.subf %get3A_1, %sub3A_18 : vector<16384x64xf32>
    %add3A = arith.constant 9.99999974E-6 : f32
    %add3A_20 = vector.broadcast %add3A : f32 to vector<1x64xf32>
    %add3A_21 = arith.addf %div3A_17, %add3A_20 : vector<1x64xf32>
    %sqrt3A = math.sqrt %add3A_21 : vector<1x64xf32>
    %div3A_22 = vector.broadcast %sqrt3A : vector<1x64xf32> to vector<16384x64xf32>
    %div3A_23 = arith.divf %sub3A_19, %div3A_22 : vector<16384x64xf32>
    %mul3A = vector.broadcast %get3A_4 : vector<1x64xf32> to vector<16384x64xf32>
    %mul3A_24 = arith.mulf %div3A_23, %mul3A : vector<16384x64xf32>
    %add3A_25 = vector.broadcast %get3A_7 : vector<1x64xf32> to vector<16384x64xf32>
    %add3A_26 = arith.addf %mul3A_24, %add3A_25 : vector<16384x64xf32>
    %max3A = arith.constant 0.000000e+00 : f32
    %max3A_27 = vector.broadcast %max3A : f32 to vector<16384x64xf32>
    %max3A_28 = arith.maximumf %add3A_26, %max3A_27 : vector<16384x64xf32>
    %get3A_29 = arith.constant 0 : index
    %get3A_30 = arith.constant 0 : index
    %get3A_31 = vector.load %arg4[%get3A_29, %get3A_30] : memref<64x32xf32, #tpu.memory_space<vmem>>, vector<64x32xf32>
    %dot_general3A = arith.constant dense<0.000000e+00> : vector<16384x32xf32>
    %dot_general3A_32 = tpu.matmul %max3A_28, %get3A_31, %dot_general3A {dimension_numbers = #tpu.dot_dimension_numbers<[1], [0], [0], [1], [0, 0, 1, 1], [], []>, transpose_lhs_hint = false} : vector<16384x64xf32>, vector<64x32xf32>, vector<16384x32xf32> -> vector<16384x32xf32>
    %get3A_33 = arith.constant 0 : index
    %get3A_34 = arith.constant 0 : index
    %get3A_35 = vector.load %arg5[%get3A_33, %get3A_34] : memref<1x32xf32, #tpu.memory_space<vmem>>, vector<1x32xf32>
    %add3A_36 = vector.broadcast %get3A_35 : vector<1x32xf32> to vector<16384x32xf32>
    %add3A_37 = arith.addf %dot_general3A_32, %add3A_36 : vector<16384x32xf32>
    %get3A_38 = arith.constant 0 : index
    %get3A_39 = arith.constant 0 : index
    %get3A_40 = vector.load %arg6[%get3A_38, %get3A_39] : memref<1x32xf32, #tpu.memory_space<vmem>>, vector<1x32xf32>
    %get3A_41 = arith.constant 0 : index
    %get3A_42 = arith.constant 0 : index
    %get3A_43 = vector.load %arg7[%get3A_41, %get3A_42] : memref<1x32xf32, #tpu.memory_space<vmem>>, vector<1x32xf32>
    %reduce_sum3A_44 = arith.constant dense<0.000000e+00> : vector<32xf32>
    %reduce_sum3A_45 = vector.multi_reduction <add>, %add3A_37, %reduce_sum3A_44 [0] : vector<16384x32xf32> to vector<32xf32>
    %broadcast_in_dim3A_46 = vector.shape_cast %reduce_sum3A_45 : vector<32xf32> to vector<1x32xf32>
    %div3A_47 = arith.constant 1.638400e+04 : f32
    %div3A_48 = vector.broadcast %div3A_47 : f32 to vector<1x32xf32>
    %div3A_49 = arith.divf %broadcast_in_dim3A_46, %div3A_48 : vector<1x32xf32>
    %sub3A_50 = vector.broadcast %div3A_49 : vector<1x32xf32> to vector<16384x32xf32>
    %sub3A_51 = arith.subf %add3A_37, %sub3A_50 : vector<16384x32xf32>
    %integer_pow3A_52 = arith.mulf %sub3A_51, %sub3A_51 : vector<16384x32xf32>
    %reduce_sum3A_53 = arith.constant dense<0.000000e+00> : vector<32xf32>
    %reduce_sum3A_54 = vector.multi_reduction <add>, %integer_pow3A_52, %reduce_sum3A_53 [0] : vector<16384x32xf32> to vector<32xf32>
    %broadcast_in_dim3A_55 = vector.shape_cast %reduce_sum3A_54 : vector<32xf32> to vector<1x32xf32>
    %div3A_56 = arith.constant 1.638400e+04 : f32
    %div3A_57 = vector.broadcast %div3A_56 : f32 to vector<1x32xf32>
    %div3A_58 = arith.divf %broadcast_in_dim3A_55, %div3A_57 : vector<1x32xf32>
    %sub3A_59 = vector.broadcast %div3A_49 : vector<1x32xf32> to vector<16384x32xf32>
    %sub3A_60 = arith.subf %add3A_37, %sub3A_59 : vector<16384x32xf32>
    %add3A_61 = arith.constant 9.99999974E-6 : f32
    %add3A_62 = vector.broadcast %add3A_61 : f32 to vector<1x32xf32>
    %add3A_63 = arith.addf %div3A_58, %add3A_62 : vector<1x32xf32>
    %sqrt3A_64 = math.sqrt %add3A_63 : vector<1x32xf32>
    %div3A_65 = vector.broadcast %sqrt3A_64 : vector<1x32xf32> to vector<16384x32xf32>
    %div3A_66 = arith.divf %sub3A_60, %div3A_65 : vector<16384x32xf32>
    %mul3A_67 = vector.broadcast %get3A_40 : vector<1x32xf32> to vector<16384x32xf32>
    %mul3A_68 = arith.mulf %div3A_66, %mul3A_67 : vector<16384x32xf32>
    %add3A_69 = vector.broadcast %get3A_43 : vector<1x32xf32> to vector<16384x32xf32>
    %add3A_70 = arith.addf %mul3A_68, %add3A_69 : vector<16384x32xf32>
    %max3A_71 = arith.constant 0.000000e+00 : f32
    %max3A_72 = vector.broadcast %max3A_71 : f32 to vector<16384x32xf32>
    %max3A_73 = arith.maximumf %add3A_70, %max3A_72 : vector<16384x32xf32>
    %get3A_74 = arith.constant 0 : index
    %get3A_75 = arith.constant 0 : index
    %get3A_76 = vector.load %arg8[%get3A_74, %get3A_75] : memref<32x1xf32, #tpu.memory_space<vmem>>, vector<32x1xf32>
    %dot_general3A_77 = arith.constant dense<0.000000e+00> : vector<16384x1xf32>
    %dot_general3A_78 = tpu.matmul %max3A_73, %get3A_76, %dot_general3A_77 {dimension_numbers = #tpu.dot_dimension_numbers<[1], [0], [0], [1], [0, 0, 1, 1], [], []>, transpose_lhs_hint = false} : vector<16384x32xf32>, vector<32x1xf32>, vector<16384x1xf32> -> vector<16384x1xf32>
    %get3A_79 = arith.constant 0 : index
    %get3A_80 = arith.constant 0 : index
    %get3A_81 = vector.load %arg9[%get3A_79, %get3A_80] : memref<1x1xf32, #tpu.memory_space<vmem>>, vector<1x1xf32>
    %add3A_82 = vector.broadcast %get3A_81 : vector<1x1xf32> to vector<16384x1xf32>
    %add3A_83 = arith.addf %dot_general3A_78, %add3A_82 : vector<16384x1xf32>
    %get3A_84 = arith.constant 0 : index
    %get3A_85 = arith.constant 0 : index
    %get3A_86 = vector.load %arg1[%get3A_84, %get3A_85] : memref<16384x1xf32, #tpu.memory_space<vmem>>, vector<16384x1xf32>
    %add3A_87 = arith.addf %get3A_86, %add3A_83 : vector<16384x1xf32>
    %neg3A = arith.constant 0.000000e+00 : f32
    %neg3A_88 = vector.broadcast %neg3A : f32 to vector<16384x1xf32>
    %neg3A_89 = arith.subf %neg3A_88, %add3A_87 : vector<16384x1xf32>
    %exp3A = math.exp %neg3A_89 : vector<16384x1xf32>
    %add3A_90 = arith.constant 1.000000e+00 : f32
    %add3A_91 = vector.broadcast %add3A_90 : f32 to vector<16384x1xf32>
    %add3A_92 = arith.addf %add3A_91, %exp3A : vector<16384x1xf32>
    %div3A_93 = arith.constant 1.000000e+00 : f32
    %div3A_94 = vector.broadcast %div3A_93 : f32 to vector<16384x1xf32>
    %div3A_95 = arith.divf %div3A_94, %add3A_92 : vector<16384x1xf32>
    %swap3A = arith.constant 0 : index
    %swap3A_96 = arith.constant 0 : index
    %swap3A_97 = vector.load %arg10[%swap3A, %swap3A_96] : memref<16384x1xf32, #tpu.memory_space<vmem>>, vector<16384x1xf32>
    tpu.vector_store %arg10[%swap3A, %swap3A_96], %div3A_95 {strides = array<i32>} : memref<16384x1xf32, #tpu.memory_space<vmem>>, vector<16384x1xf32>,
    return
  }
}

</mosaic_0001>

<sc_bundles>
// kernel: kernel.5.cloned.1.call-start
scs
__scs_entry_jumppad:
0x0: {  	(pc) =	sbr.rel $0x88, $3  }
0x1: {  	(tag) =	ssettag $0x0;
	lr =	simm.s32 $0x1  }
0x2: {  	[smem:$0x3F90] =	sst lr;
	_ =	strace $0xD0000000  }
0x3: {  	_ = 	snop  }
0x4: {  	_ = 	snop  }
0x5: {  	_ = 	snop  }
0x6: {  	_ = 	snop  }
0x7: {  	_ = 	snop  }
__scs_overlays_trampoline_lowered:
0x8: {  	[smem:$0x3F9F] =	sst s0  }
0x9: {  	[smem:$0x3FA0] =	sst s1  }
0xa: {  	[smem:$0x3FA1] =	sst s2  }
0xb: {  	[smem:$0x3FA2] =	sst s3  }
0xc: {  	[smem:$0x3FA3] =	sst s4  }
0xd: {  	[smem:$0x3FA4] =	sst s5  }
0xe: {  	[smem:$0x3FA5] =	sst s6  }
0xf: {  	[smem:$0x3FA6] =	sst s7  }
0x10: {  	[smem:$0x3FA7] =	sst s8  }
0x11: {  	[smem:$0x3FA8] =	sst s9;
	s0 =	simm.s32 @!p0 $0x0  }
0x12: {  	s1 =	sld [smem:$0x3F8E];
	s0 =	simm.s32 @p0 $0x1  }
0x13: {  	[smem:$0x3FA9] =	sst s0;
	s0 =	simm.s32 @!p1 $0x0  }
0x14: {  	s2 =	sld [smem:$0x3F8D];
	s0 =	simm.s32 @p1 $0x1  }
0x15: {  	[smem:$0x3FAA] =	sst s0;
	s0 =	simm.s32 @!p2 $0x0  }
0x16: {  	s3 =	sld [smem:$0x3FDB];
	s0 =	simm.s32 @p2 $0x1  }
0x17: {  	s4 =	simm.s32 $0x1BF5;
	[smem:$0x3FAC] =	sst s0  }
0x18: {  	s0 =	sld [smem:$0x3F8F];
	_ =	swait.ge [sflag:s4], $0x0  }
0x19: {  	s7 =	sld [smem:$0x3F90]  }
0x1a: {  	s8 =	sadd.s32 $0xFFFFE003, lr  }
0x1b: {  	s9 =	sadd.s32 $0xFFFFFEF7, lr;
	s5 =	simm.s32 $0xFFFFFFFF;
	p2 =	slt.u32 s8, $0xFFFFF086  }
0x1c: {  	p1 =	slt.u32 s9, $0xF7A;
	s5 =	simm.s32 @!p2 $0x0  }
0x1d: {  	s5 =	simm.s32 @p1 $0x1;
	p0 =	seq.s32 s7, s2  }
0x1e: {  	s7 =	smul.u32 @!p0 $0xF7A, s2;
	p2 =	seq.s32 @!p0 s5, $0x0  }
0x1f: {  	s9 =	smul.u32 $0xF7A, s1;
	s8 =	simm.s32 @!p0 $0x1BF5;
	p2 =	por !p2, p0  }
0x20: {  	[sflag:s8] =	ssyncset.s32 @!p0 $0xFFFFF086;
	s6 =	sadd.s32 @!p0 s3, s7;
	s7 =	simm.s32 @!p0 $0x108  }
0x21: {  	s3 =	sadd.s32 s3, s9;
	s6 =	sadd.s32 @!p0 $0x88, s6;
	s7 =	simm.s32 @p2 $0x1082  }
0x22: {  	[simem:s7], [sflag:s8] =	dma.local @!p0 [hbm:s6], $0xF7A  }
0x23: {  	s9 =	sor.u32 $0xD0000000, s2;
	s6 =	simm.s32 $0x108;
	_ =	swait.ge @!p0 [sflag:s8], $0x0  }
0x24: {  	s3 =	sadd.s32 $0x88, s3;
	s6 =	simm.s32 @!p1 $0x1082;
	[sflag:s4] =	ssyncset.s32 $0xFFFFF086  }
0x25: {  	[simem:s6], [sflag:s4] =	dma.local [hbm:s3], $0xF7A  }
0x26: {  	[smem:$0x3F90] =	sst s1;
	(tag) =	ssettag s2;
	_ =	strace s9  }
0x27: {  	s1 =	sld [smem:$0x3FA0]  }
0x28: {  	s2 =	sld [smem:$0x3FA1]  }
0x29: {  	s4 =	sld [smem:$0x3FA3]  }
0x2a: {  	p0 =	seq.s32 s5, $0x0;
	s5 =	sld [smem:$0x3FA4]  }
0x2b: {  	s6 =	sld [smem:$0x3FA5]  }
0x2c: {  	s7 =	sld [smem:$0x3FA6]  }
0x2d: {  	s3 =	simm.s32 $0x108;
	s8 =	sld [smem:$0x3FA7]  }
0x2e: {  	s3 =	simm.s32 @!p0 $0x1082;
	s9 =	sld [smem:$0x3FA8]  }
0x2f: {  	lr =	sadd.s32 s0, s3;
	s0 =	sld [smem:$0x3F9F]  }
0x30: {  	s3 =	sld [smem:$0x3FA2]  }
0x31: {  	[smem:$0x3FAB] =	sst s10  }
0x32: {  	s10 =	sld [smem:$0x3FA9];
	_ =	sdelay $0x3  }
0x33: {  	p0 =	seq.s32 s10, $0x1;
	s10 =	sld [smem:$0x3FAB];
	_ =	sdelay $0x3  }
0x34: {  	[smem:$0x3FAB] =	sst s10  }
0x35: {  	s10 =	sld [smem:$0x3FAA];
	_ =	sdelay $0x3  }
0x36: {  	p1 =	seq.s32 s10, $0x1;
	s10 =	sld [smem:$0x3FAB];
	_ =	sdelay $0x3  }
0x37: {  	[smem:$0x3FAB] =	sst s10  }
0x38: {  	s10 =	sld [smem:$0x3FAC]  }
0x39: {  	_ = 	snop;
	(pc) =	sbr.ind lr, $3  }
0x3a: {  	_ = 	snop  }
0x3b: {  	_ = 	snop  }
0x3c: {  	p2 =	seq.s32 s10, $0x1;
	s10 =	sld [smem:$0x3FAB]  }
0x3d: {  	_ =	shalt  }
0x3e: {  	_ =	shalt  }
0x3f: {  	_ =	shalt  }
0x40: {  	_ =	shalt  }
0x41: {  	_ =	shalt  }
0x42: {  	_ =	shalt  }
0x43: {  	_ =	shalt  }
0x44: {  	_ =	shalt  }
0x45: {  	_ =	shalt  }
0x46: {  	_ =	shalt  }
0x47: {  	_ =	shalt  }
0x48: {  	_ =	shalt  }
0x49: {  	_ =	shalt  }
0x4a: {  	_ =	shalt  }
0x4b: {  	_ =	shalt  }
0x4c: {  	_ =	shalt  }
0x4d: {  	_ =	shalt  }
0x4e: {  	_ =	shalt  }
0x4f: {  	_ =	shalt  }
0x50: {  	_ =	shalt  }
0x51: {  	_ =	shalt  }
0x52: {  	_ =	shalt  }
0x53: {  	_ =	shalt  }
0x54: {  	_ =	shalt  }
0x55: {  	_ =	shalt  }
0x56: {  	_ =	shalt  }
0x57: {  	_ =	shalt  }
0x58: {  	_ =	shalt  }
0x59: {  	_ =	shalt  }
0x5a: {  	_ =	shalt  }
0x5b: {  	_ =	shalt  }
0x5c: {  	_ =	shalt  }
0x5d: {  	_ =	shalt  }
0x5e: {  	_ =	shalt  }
0x5f: {  	_ =	shalt  }
0x60: {  	_ =	shalt  }
0x61: {  	_ =	shalt  }
0x62: {  	_ =	shalt  }
0x63: {  	_ =	shalt  }
0x64: {  	_ =	shalt  }
0x65: {  	_ =	shalt  }
0x66: {  	_ =	shalt  }
0x67: {  	_ =	shalt  }
0x68: {  	_ =	shalt  }
0x69: {  	_ =	shalt  }
0x6a: {  	_ =	shalt  }
0x6b: {  	_ =	shalt  }
0x6c: {  	_ =	shalt  }
0x6d: {  	_ =	shalt  }
0x6e: {  	_ =	shalt  }
0x6f: {  	_ =	shalt  }
0x70: {  	_ =	shalt  }
0x71: {  	_ =	shalt  }
0x72: {  	_ =	shalt  }
0x73: {  	_ =	shalt  }
0x74: {  	_ =	shalt  }
0x75: {  	_ =	shalt  }
0x76: {  	_ =	shalt  }
0x77: {  	_ =	shalt  }
0x78: {  	_ =	shalt  }
0x79: {  	_ =	shalt  }
0x7a: {  	_ =	shalt  }
0x7b: {  	_ =	shalt  }
0x7c: {  	_ =	shalt  }
0x7d: {  	_ =	shalt  }
0x7e: {  	_ =	shalt  }
0x7f: {  	_ =	shalt  }
0x80: {  	_ =	shalt  }
0x81: {  	_ =	shalt  }
0x82: {  	_ =	shalt  }
0x83: {  	_ =	shalt  }
0x84: {  	_ =	shalt  }
0x85: {  	_ =	shalt  }
0x86: {  	_ =	shalt  }
0x87: {  	_ =	shalt  }
.Lfunc_end0:
.L_simem_size_0:
called_computation_lowered:
.L_overlay_start_0:
0x88: {  	s2 =	sld [smem:$0x3FD9]  }
0x89: {  	s3 =	sld [smem:$0x3FFE];
	_ =	sdelay $0x1  }
0x8a: {  	s1 =	srdreg.scid  }
0x8b: {  	s0 =	sand.u32 $0x1, s1  }
0x8c: {  	s16 =	sshll.u32 s0, $0xA;
	s2 =	sadd.s32 s3, s2  }
0x8d: {  	s2 =	sadd.s32 s2, s16  }
0x8e: {  	[smem:$0x3FB7] =	sst s2  }
0x8f: {  	_ = 	snop  }
0x90: {  	(tm) =	ssettm $0x1  }
0x91: {  	s17 =	sld [smem:$0x3FFB];
	_ =	sdelay $0x3  }
0x92: {  	_ =	strace s17  }
0x93: {  	s2 =	sld [smem:$0x3FFC];
	_ =	sdelay $0x3  }
0x94: {  	_ =	strace s2  }
0x95: {  	s2 =	sld [smem:$0x3FFD];
	_ =	sdelay $0x3  }
0x96: {  	_ =	strace s2  }
0x97: {  	_ =	strace $0x8FFFFFFF  }
0x98: {  	s18 =	sld [smem:$0x3FDB];
	_ =	sdelay $0x1  }
0x99: {  	s19 =	simm.s32 $_scs_section_size  }
0x9a: {  	s4 =	simm.s32 $_size__tile_overlayer_lowered;
	s5 =	simm.s32 $_tile_overlayer_lowered  }
0x9b: {  	s22 =	simm.s32 $0x1BFF;
	s21 =	sshll.u32 s5, $0x1;
	s2 =	sadd.s32 s19, s18  }
0x9c: {  	s6 =	simm.s32 $0x0;
	s20 =	sshll.u32 s4, $0x1;
	s4 =	sadd.s32 s21, s2  }
0x9d: {  	[timem:s6], [sflag:s22] =	dma.local [hbm:s4], s20  }
0x9e: {  	_ =	swait.ge [sflag:s22], s20  }
0x9f: {  	s3 =	ssub.s32 $0x0, s20;
	[sflag:s22] =	ssyncset.done $0x0  }
0xa0: {  	[sflag:s22] =	ssyncadd.s32 s3;
	_ =	sdelay $0x1  }
0xa1: {  	s23 =	simm.s32 $0x1B8B  }
0xa2: {  	_ =	swait.ge [sflag:s23], $0x1  }
0xa3: {  	[sflag:s23] =	ssyncset.done $0x0  }
0xa4: {  	s25 =	simm.s32 $0x1B8E;
	s24 =	sld [smem:$0x3FFE];
	[sflag:s23] =	ssyncadd.s32 $0xFFFFFFFF  }
0xa5: {  	s26 =	simm.s32 $execute0_lowered;
	[smem:$0x3FD2] =	sst s25  }
0xa6: {  	s4 =	sshll.u32 s26, $0x1;
	_ =	strace $0x80000046;
	[dreg:$0x1] =	wrdreg $0xFFFFFFFF  }
0xa7: {  	s28 =	simm.s32 $_size_execute0_lowered;
	s2 =	sadd.s32 s2, s4;
	[dreg:$0x0] =	wrdreg $0x0  }
0xa8: {  	s4 =	sshll.u32 s28, $0x1;
	[dreg:$0x2] =	wrdreg s2  }
0xa9: {  	[dreg:$0x3] =	wrdreg s4  }
0xaa: {  	[dreg:$0x4] =	wrdreg $0xC0  }
0xab: {  	_ =	task [dreg:s6], $0x5FFFF  }
0xac: {  	[dreg:$0x1] =	wrdreg $0xFFFFFFFF  }
0xad: {  	[dreg:$0x0] =	wrdreg $0x60  }
0xae: {  	[dreg:$0x2] =	wrdreg s24  }
0xaf: {  	[dreg:$0x3] =	wrdreg $0x9  }
0xb0: {  	_ =	task.clear_ibuf [dreg:s6], $0x4FFFF;
	_ =	strace $0x90000046  }
0xb1: {  	s29 =	simm.s32 $0x9;
	_ =	strace $0x80000048  }
0xb2: {  	_ =	swait.ge [sflag:s29], $0x1  }
0xb3: {  	[sflag:s29] =	ssyncadd.s32 $0xFFFFFFFF  }
0xb4: {  	_ =	strace $0x90000048  }
0xb5: {  	_ =	sfence  }
0xb6: {  	s30 =	sld [smem:$0x0];
	_ =	sdelay $0x2  }
0xb7: {  	s31 =	sshll.u32 s1, $0xD;
	s1 =	sshrl.u32 s1, $0x2  }
0xb8: {  	s3 =	sand.u32 $0x4000, s31;
	s1 =	sadd.s32 s1, s30  }
0xb9: {  	s0 =	sor.u32 s3, s0;
	s1 =	sshll.u32 s1, $0x11  }
0xba: {  	s0 =	sor.u32 s1, s0  }
0xbb: {  	s0 =	sadd.s32 $0x8F2B, s0  }
0xbc: {  	[sflag:s0] =	ssyncadd.remote.s32 $0x1  }
0xbd: {  	_ =	sfence.sel $0xFFFF  }
0xbe: {  	[dreg:$0x0] =	wrdreg $0xFFFFFFFF;
	(pc) =	sbr.abs _section_cstart, $3  }
0xbf: {  	[dreg:$0x1] =	wrdreg $0xFFFFFFFF  }
0xc0: {  	_ =	task.clear_ibuf [dreg:s6], $0x2FFFF;
	_ =	strace $0x9FFFFFFF  }
0xc1: {  	(tm) =	ssettm $0x7FFFFFFF  }
tec
execute0_lowered:
.L_overlay_start_1:
0x0: {  	(tag) =	ssettag $0x1  }
0x1: {  	vm14 =	vcmask $0x300;
	v0 =	vimm.s32 $0x7B700  }
0x2: {  	vm13 =	vcmask $0x704;
	vm12 =	vcmask $0xB08;
	vm11 =	vcmask $0xF0C  }
0x3: {  	v1 =	vlaneseq.u32;
	vm10 =	vcmask $0x1310;
	vm9 =	vcmask $0x1714  }
0x4: {  	vm8 =	vcmask $0x1B18;
	vm7 =	vcmask $0x1F1C;
	vm6 =	vcmask $0x2320  }
0x5: {  	vm5 =	vcmask $0x2724;
	vm4 =	vcmask $0x2B28;
	vm2 =	vcmask $0x2F2C  }
0x6: {  	v3 =	vimm.s32 $0x18B00;
	vm0 =	vcmask $0x3330;
	vm1 =	vcmask $0x3734  }
0x7: {  	vm3 =	vcmask $0x3B38;
	v6 =	vimm.s32 $0xACD00;
	v8 =	vimm.s32 $0x4A100  }
0x8: {  	v9 =	vimm.s32 $0xDE300;
	v0 =	vsel vm14, $0x18B000, v0;
	v3 =	vsel vm14, $0x128400, v3  }
0x9: {  	v8 =	vsel vm14, $0x159A00, v8;
	v9 =	vsel vm14, $0x1EDC00, v9;
	v0 =	vsel vm13, $0x1A3B00, v0  }
0xa: {  	v3 =	vsel vm13, $0x140F00, v3;
	v8 =	vsel vm13, $0x172500, v8;
	v9 =	vsel vm13, $0x206700, v9  }
0xb: {  	v0 =	vsel vm12, $0x1BC600, v0;
	v3 =	vsel vm12, $0x159A00, v3;
	v8 =	vsel vm12, $0x18B000, v8  }
0xc: {  	v9 =	vsel vm12, $0x21F200, v9;
	v2 =	vsel vm11, $0x1D5100, v0;
	v0 =	vmul.u32 $0x18B00, v1  }
0xd: {  	v3 =	vsel vm11, $0x172500, v3;
	v8 =	vsel vm11, $0x1A3B00, v8;
	v9 =	vsel vm11, $0x237D00, v9  }
0xe: {  	v1 =	vsel vm10, $0x1EDC00, v2;
	v2 =	vimm.s32 $0x10F900;
	v3 =	vsel vm10, $0x18B000, v3  }
0xf: {  	v8 =	vsel vm10, $0x1BC600, v8;
	v9 =	vsel vm10, $0x250800, v9;
	v2 =	vsel vm14, $0x21F200, v2  }
0x10: {  	v1 =	vsel vm9, $0x206700, v1;
	v3 =	vsel vm9, $0x1A3B00, v3;
	v2 =	vsel vm13, $0x237D00, v2  }
0x11: {  	v8 =	vsel vm9, $0x1D5100, v8;
	v9 =	vsel vm9, $0x269300, v9;
	v2 =	vsel vm12, $0x250800, v2  }
0x12: {  	v12 =	vadd.s32 $0xF6E00, v0;
	v1 =	vsel vm8, $0x21F200, v1;
	v2 =	vsel vm11, $0x269300, v2  }
0x13: {  	v3 =	vsel vm8, $0x1BC600, v3;
	v8 =	vsel vm8, $0x1EDC00, v8;
	v2 =	vsel vm10, $0x0, v2  }
0x14: {  	v9 =	vsel vm8, $0x0, v9;
	v1 =	vsel vm7, $0x237D00, v1;
	v2 =	vsel vm9, $0x18B00, v2  }
0x15: {  	v5 =	vsel vm7, $0x1D5100, v3;
	v8 =	vsel vm7, $0x206700, v8;
	v2 =	vsel vm8, $0x31600, v2  }
0x16: {  	v9 =	vsel vm7, $0x18B00, v9;
	v1 =	vsel vm6, $0x250800, v1;
	v2 =	vsel vm7, $0x4A100, v2  }
0x17: {  	v8 =	vsel vm6, $0x21F200, v8;
	v9 =	vsel vm6, $0x31600, v9;
	v2 =	vsel vm6, $0x62C00, v2  }
0x18: {  	v1 =	vsel vm5, $0x269300, v1;
	v8 =	vsel vm5, $0x237D00, v8;
	v2 =	vsel vm5, $0x7B700, v2  }
0x19: {  	v9 =	vsel vm5, $0x4A100, v9;
	v1 =	vsel vm4, $0x0, v1;
	v2 =	vsel vm4, $0x94200, v2  }
0x1a: {  	s30 =	simm.s32 $0x3C00;
	s31 =	simm.s32 $0x7480;
	v8 =	vsel vm4, $0x250800, v8;
	v9 =	vsel vm4, $0x62C00, v9;
	v4 =	vsel vm2, $0xACD00, v2  }
0x1b: {  	s12 =	simm.s32 $0x4400;
	s13 =	simm.s32 $0x7500;
	v1 =	vsel vm2, $0x18B00, v1;
	v8 =	vsel vm2, $0x269300, v8;
	v4 =	vsel vm0, $0xC5800, v4  }
0x1c: {  	s14 =	simm.s32 $0x7580;
	s15 =	simm.s32 $0x5400;
	s16 =	simm.s32 $0x7600;
	v9 =	vsel vm2, $0x7B700, v9;
	v1 =	vsel vm0, $0x31600, v1;
	v4 =	vsel vm1, $0xDE300, v4  }
0x1d: {  	s17 =	simm.s32 $0x5C00;
	s18 =	simm.s32 $0x7680;
	s19 =	simm.s32 $0x6400;
	v8 =	vsel vm0, $0x0, v8;
	v11 =	vsel vm0, $0x94200, v9;
	v3 =	vsel vm3, $0xF6E00, v4  }
0x1e: {  	s0 =	stileid.u32;
	v4 =	vsel vm6, $0x1EDC00, v5;
	v5 =	vsel vm14, $0x1BC600, v6;
	v6 =	vimm.s32 $0x140F00  }
0x1f: {  	s1 =	srdreg.scid;
	s20 =	simm.s32 $0x7700;
	s21 =	simm.s32 $0x6C00;
	v1 =	vsel vm1, $0x4A100, v1;
	v10 =	vsel vm1, $0x18B00, v8;
	v6 =	vsel vm14, $0x250800, v6  }
0x20: {  	s6 =	rddreg [dreg:$0x0];
	s2 =	simm.s32 $0x0;
	s22 =	simm.s32 $0x7780;
	v8 =	vadd.s32 $0xC5800, v0;
	v5 =	vsel vm13, $0x1D5100, v5;
	v6 =	vsel vm13, $0x269300, v6  }
0x21: {  	s23 =	simm.s32 $0x1;
	s24 =	simm.s32 $0x2;
	s3 =	smul.u32 $0x6800, s0;
	v11 =	vsel vm1, $0xACD00, v11;
	v5 =	vsel vm12, $0x1EDC00, v5;
	v6 =	vsel vm12, $0x0, v6  }
0x22: {  	s25 =	simm.s32 $0x0;
	[smem:$0x7FF] =	sst s2;
	s9 =	smul.u32 $0xD000, s0;
	v1 =	vsel vm3, $0x62C00, v1;
	v5 =	vsel vm11, $0x206700, v5;
	v6 =	vsel vm11, $0x18B00, v6  }
0x23: {  	s7 =	sand.u32 $0x1, s1;
	_ =	strace $0x80000047;
	[dreg:$0x2] =	wrdreg s30;
	v9 =	vsel vm3, $0x31600, v10;
	v5 =	vsel vm10, $0x21F200, v5;
	v6 =	vsel vm10, $0x31600, v6  }
0x24: {  	s5 =	sshll.u32 s0, $0x1;
	s4 =	smul.u32 $0x3400, s7;
	[dreg:$0x3] =	wrdreg s31;
	v10 =	vadd.s32 $0x62C00, v0;
	v5 =	vsel vm9, $0x237D00, v5;
	v6 =	vsel vm9, $0x4A100, v6  }
0x25: {  	s5 =	sor.u32 s7, s5;
	s10 =	ssub.s32 $0x2, s7;
	[dreg:$0x4] =	wrdreg s12;
	v11 =	vsel vm3, $0xC5800, v11;
	v7 =	vsel vm8, $0x250800, v5;
	v6 =	vsel vm8, $0x62C00, v6  }
0x26: {  	s7 =	smul.u32 $0x6800, s7;
	s12 =	simm.s32 $0x7400;
	[dreg:$0x5] =	wrdreg s13;
	v2 =	vadd.s32 $0x94200, v0;
	v7 =	vsel vm7, $0x269300, v7;
	v6 =	vsel vm7, $0x7B700, v6  }
0x27: {  	s13 =	simm.s32 $0x4C00;
	s8 =	smul.u32 $0x3400, s5;
	s9 =	sadd.s32 s9, s6;
	v4 =	vsel vm5, $0x206700, v4;
	v7 =	vsel vm6, $0x0, v7;
	v6 =	vsel vm6, $0x94200, v6  }
0x28: {  	s11 =	sshrl.u32 s10, $0x1;
	s4 =	sadd.s32 s4, s3;
	s3 =	sadd.s32 $0x61E000, s6;
	v4 =	vsel vm4, $0x21F200, v4;
	v7 =	vsel vm5, $0x18B00, v7;
	v6 =	vsel vm5, $0xACD00, v6  }
0x29: {  	s29 =	ssub.s32 s10, s11;
	s9 =	sadd.s32 s7, s9;
	s10 =	simm.s32 $0x80;
	v4 =	vsel vm2, $0x237D00, v4;
	v7 =	vsel vm4, $0x31600, v7;
	v6 =	vsel vm4, $0xC5800, v6  }
0x2a: {  	s11 =	simm.s32 $0x3400;
	s26 =	sshrl.u32 s4, $0x3;
	s8 =	sshrl.u32 s8, $0x3;
	v4 =	vsel vm0, $0x250800, v4;
	v7 =	vsel vm2, $0x4A100, v7;
	v6 =	vsel vm2, $0xDE300, v6  }
0x2b: {  	s4 =	sadd.s32 $0x10800, s6;
	s5 =	sadd.s32 s26, s6;
	s8 =	sadd.s32 s8, s6;
	v4 =	vsel vm1, $0x269300, v4;
	v7 =	vsel vm0, $0x62C00, v7;
	v6 =	vsel vm0, $0xF6E00, v6  }
0x2c: {  	s7 =	smax.u32 s29, $0x1;
	s5 =	sadd.s32 $0x12FE00, s5;
	s28 =	sadd.s32 $0x3800, s8;
	v4 =	vsel vm3, $0x0, v4;
	v7 =	vsel vm1, $0x7B700, v7;
	v6 =	vsel vm1, $0x10F900, v6  }
0x2d: {  	s8 =	sadd.s32 $0x5FE00, s9;
	s9 =	simm.s32 $0x3;
	[dreg:$0x6] =	wrdreg s28;
	v5 =	vadd.s32 $0x31600, v0;
	v7 =	vsel vm3, $0x94200, v7;
	v6 =	vsel vm3, $0x128400, v6  }
.LBB2_1:
0x2e: {  	s0 =	rddreg [dreg:$0x6]  }
0x2f: {  	[tilespmem:s2], [sflag:$0x3] =	stream.linear.gather [hbm4b:s0+s2], $0x3400, $0x38;
	[tilespmem:$0x7800] =	vst v63  }
0x30: {  	_ =	swait.ge [sflag:s9], $0x3400  }
0x31: {  	[sflag:s9] =	ssyncset.done $0x0  }
0x32: {  	s26 =	simm.s32 $0x0;
	[sflag:s9] =	ssyncadd.s32 $0xFFFFCC00  }
0x33: {  	v13 =	vld [tilespmem:s26+$0x0]  }
0x34: {  	v14 =	vld [tilespmem:s26+$0x10]  }
0x35: {  	v15 =	vld [tilespmem:s26+$0x20]  }
0x36: {  	v16 =	vld [tilespmem:s26+$0x30]  }
0x37: {  	v17 =	vld [tilespmem:s26+$0x40]  }
0x38: {  	v18 =	vld [tilespmem:s26+$0x50];
	v13 =	vadd.s32 v0, v13  }
0x39: {  	v19 =	vld [tilespmem:s26+$0x60];
	[tilespmem:s26+$0x0] =	vst v13;
	v13 =	vadd.s32 v1, v14  }
0x3a: {  	v14 =	vld [tilespmem:s26+$0x70];
	[tilespmem:s26+$0x10] =	vst v13;
	v13 =	vadd.s32 v2, v15  }
0x3b: {  	v15 =	vadd.s32 v3, v16;
	[tilespmem:s26+$0x20] =	vst v13;
	v13 =	vld [tilespmem:s26+$0x80]  }
0x3c: {  	v16 =	vadd.s32 v4, v17;
	[tilespmem:s26+$0x30] =	vst v15;
	v15 =	vld [tilespmem:s26+$0x90]  }
0x3d: {  	v17 =	vadd.s32 v5, v18;
	[tilespmem:s26+$0x40] =	vst v16;
	v16 =	vld [tilespmem:s26+$0xA0]  }
0x3e: {  	s28 =	simm.s32 $0x340;
	v18 =	vadd.s32 v7, v19;
	[tilespmem:s26+$0x50] =	vst v17;
	v17 =	vld [tilespmem:s26+$0xB0]  }
.LBB2_2:
0x3f: {  	s29 =	sshra.s32 s28, $0x2;
	p0 =	sne.s32 s28, $0xCCC0;
	[tilespmem:s26+$0x60] =	vst v18;
	v14 =	vadd.s32 v8, v14;
	v18 =	vld [tilespmem:s26+$0xC0]  }
0x40: {  	v19 =	vld [tilespmem:s29+$0x0];
	[tilespmem:s26+$0x70] =	vst v14;
	v13 =	vadd.s32 v6, v13  }
0x41: {  	v14 =	vld [tilespmem:s29+$0x10];
	[tilespmem:s26+$0x80] =	vst v13;
	v13 =	vadd.s32 v9, v15  }
0x42: {  	v15 =	vld [tilespmem:s29+$0x20];
	[tilespmem:s26+$0x90] =	vst v13;
	v13 =	vadd.s32 v10, v16  }
0x43: {  	v16 =	vld [tilespmem:s29+$0x30];
	[tilespmem:s26+$0xA0] =	vst v13;
	v13 =	vadd.s32 v11, v17  }
0x44: {  	v17 =	vld [tilespmem:s29+$0x40];
	[tilespmem:s26+$0xB0] =	vst v13;
	v13 =	vadd.s32 v12, v18  }
0x45: {  	v18 =	vadd.s32 v0, v19;
	v19 =	vld [tilespmem:s29+$0x50];
	[tilespmem:s26+$0xC0] =	vst v13;
	s26 =	smov.u32 s29  }
0x46: {  	[tilespmem:s26+$0x0] =	vst v18;
	v13 =	vadd.s32 v1, v14;
	v18 =	vld [tilespmem:s26+$0x60]  }
.Ltmp0:
0x47: {  	[tilespmem:s26+$0x10] =	vst v13;
	v13 =	vadd.s32 v2, v15;
	v14 =	vld [tilespmem:s26+$0x70];
	(pc) =	sbr.rel @p0 .LBB2_2-.Ltmp0, $4  }
0x48: {  	[tilespmem:s26+$0x20] =	vst v13;
	v15 =	vadd.s32 v3, v16;
	v13 =	vld [tilespmem:s26+$0x80]  }
0x49: {  	[tilespmem:s26+$0x30] =	vst v15;
	v16 =	vadd.s32 v4, v17;
	v15 =	vld [tilespmem:s26+$0x90]  }
0x4a: {  	[tilespmem:s26+$0x40] =	vst v16;
	v17 =	vadd.s32 v5, v19;
	v16 =	vld [tilespmem:s26+$0xA0]  }
0x4b: {  	s28 =	sadd.s32 $0x340, s28;
	[tilespmem:s26+$0x50] =	vst v17;
	v18 =	vadd.s32 v7, v18;
	v17 =	vld [tilespmem:s26+$0xB0]  }
0x4c: {  	[tilespmem:s26+$0x60] =	vst v18;
	v14 =	vadd.s32 v8, v14;
	v63 =	vld [tilespmem:s26+$0xC0]  }
0x4d: {  	[tilespmem:s26+$0x70] =	vst v14;
	v13 =	vadd.s32 v6, v13  }
0x4e: {  	[tilespmem:s26+$0x80] =	vst v13;
	v13 =	vadd.s32 v9, v15  }
0x4f: {  	[tilespmem:s26+$0x90] =	vst v13;
	v13 =	vadd.s32 v10, v16  }
0x50: {  	[tilespmem:s26+$0xA0] =	vst v13;
	v13 =	vadd.s32 v11, v17  }
0x51: {  	[tilespmem:s26+$0xB0] =	vst v13;
	v13 =	vadd.s32 v12, v63  }
0x52: {  	s0 =	simm.s32 $0x0;
	[tilespmem:s26+$0xC0] =	vst v13  }
0x53: {  	[tilespmem:s11], [sflag:$0x1] =	stream.indirect.gather [hbm4b:s3+s10], $0x10, s0, s10, $0xb8;
	[tilespmem:$0x7800] =	vst v63  }
0x54: {  	_ = 	snop  }
0x55: {  	[tilespmem:s12], [sflag:$0x2] =	stream.indirect.gather [hbm4b:s4+s10], $0x1, s0, s10, $0xb8;
	[tilespmem:$0x7800] =	vst v63  }
0x56: {  	s28 =	rddreg [dreg:$0x2];
	s1 =	simm.s32 $0x80  }
0x57: {  	[tilespmem:s28], [sflag:$0x1] =	stream.indirect.gather [hbm4b:s3+s10], $0x10, s1, s10, $0xb8;
	[tilespmem:$0x7800] =	vst v63  }
0x58: {  	s29 =	rddreg [dreg:$0x3]  }
0x59: {  	[tilespmem:s29], [sflag:$0x2] =	stream.indirect.gather [hbm4b:s4+s10], $0x1, s1, s10, $0xb8;
	[tilespmem:$0x7800] =	vst v63  }
0x5a: {  	s6 =	simm.s32 $0x100;
	s28 =	rddreg [dreg:$0x4]  }
0x5b: {  	[tilespmem:s28], [sflag:$0x1] =	stream.indirect.gather [hbm4b:s3+s10], $0x10, s6, s10, $0xb8;
	[tilespmem:$0x7800] =	vst v63  }
0x5c: {  	s29 =	rddreg [dreg:$0x5]  }
0x5d: {  	[tilespmem:s29], [sflag:$0x2] =	stream.indirect.gather [hbm4b:s4+s10], $0x1, s6, s10, $0xb8;
	[tilespmem:$0x7800] =	vst v63  }
0x5e: {  	s30 =	simm.s32 $0x180  }
0x5f: {  	[tilespmem:s13], [sflag:$0x1] =	stream.indirect.gather [hbm4b:s3+s10], $0x10, s30, s10, $0xb8;
	[tilespmem:$0x7800] =	vst v63  }
0x60: {  	_ = 	snop  }
0x61: {  	[tilespmem:s14], [sflag:$0x2] =	stream.indirect.gather [hbm4b:s4+s10], $0x1, s30, s10, $0xb8;
	[tilespmem:$0x7800] =	vst v63  }
0x62: {  	s0 =	simm.s32 $0x200  }
0x63: {  	[tilespmem:s15], [sflag:$0x1] =	stream.indirect.gather [hbm4b:s3+s10], $0x10, s0, s10, $0xb8;
	[tilespmem:$0x7800] =	vst v63  }
0x64: {  	_ = 	snop  }
0x65: {  	[tilespmem:s16], [sflag:$0x2] =	stream.indirect.gather [hbm4b:s4+s10], $0x1, s0, s10, $0xb8;
	[tilespmem:$0x7800] =	vst v63  }
0x66: {  	s1 =	simm.s32 $0x280  }
0x67: {  	[tilespmem:s17], [sflag:$0x1] =	stream.indirect.gather [hbm4b:s3+s10], $0x10, s1, s10, $0xb8;
	[tilespmem:$0x7800] =	vst v63  }
0x68: {  	_ = 	snop  }
0x69: {  	[tilespmem:s18], [sflag:$0x2] =	stream.indirect.gather [hbm4b:s4+s10], $0x1, s1, s10, $0xb8;
	[tilespmem:$0x7800] =	vst v63  }
0x6a: {  	s6 =	simm.s32 $0x300  }
0x6b: {  	[tilespmem:s19], [sflag:$0x1] =	stream.indirect.gather [hbm4b:s3+s10], $0x10, s6, s10, $0xb8;
	[tilespmem:$0x7800] =	vst v63  }
0x6c: {  	_ = 	snop  }
0x6d: {  	[tilespmem:s20], [sflag:$0x2] =	stream.indirect.gather [hbm4b:s4+s10], $0x1, s6, s10, $0xb8;
	[tilespmem:$0x7800] =	vst v63  }
0x6e: {  	s30 =	simm.s32 $0x380  }
0x6f: {  	[tilespmem:s21], [sflag:$0x1] =	stream.indirect.gather [hbm4b:s3+s10], $0x10, s30, s10, $0xb8;
	[tilespmem:$0x7800] =	vst v63  }
0x70: {  	_ = 	snop  }
0x71: {  	[tilespmem:s22], [sflag:$0x2] =	stream.indirect.gather [hbm4b:s4+s10], $0x1, s30, s10, $0xb8;
	[tilespmem:$0x7800] =	vst v63  }
0x72: {  	_ =	swait.ge [sflag:s23], $0x800  }
0x73: {  	[sflag:s23] =	ssyncset.done $0x0  }
0x74: {  	[sflag:s23] =	ssyncadd.s32 $0xFFFFF800  }
0x75: {  	_ =	swait.ge [sflag:s24], $0x80  }
0x76: {  	[sflag:s24] =	ssyncset.done $0x0  }
0x77: {  	[sflag:s24] =	ssyncadd.s32 $0xFFFFFF80  }
0x78: {  	_ =	swait.ge [sflag:s23], $0x800  }
0x79: {  	[sflag:s23] =	ssyncset.done $0x0  }
0x7a: {  	[sflag:s23] =	ssyncadd.s32 $0xFFFFF800  }
0x7b: {  	_ =	swait.ge [sflag:s24], $0x80  }
0x7c: {  	[sflag:s24] =	ssyncset.done $0x0  }
0x7d: {  	[sflag:s24] =	ssyncadd.s32 $0xFFFFFF80  }
0x7e: {  	_ =	swait.ge [sflag:s23], $0x800  }
0x7f: {  	[sflag:s23] =	ssyncset.done $0x0  }
0x80: {  	[sflag:s23] =	ssyncadd.s32 $0xFFFFF800  }
0x81: {  	_ =	swait.ge [sflag:s24], $0x80  }
0x82: {  	[sflag:s24] =	ssyncset.done $0x0  }
0x83: {  	[sflag:s24] =	ssyncadd.s32 $0xFFFFFF80  }
0x84: {  	_ =	swait.ge [sflag:s23], $0x800  }
0x85: {  	[sflag:s23] =	ssyncset.done $0x0  }
0x86: {  	[sflag:s23] =	ssyncadd.s32 $0xFFFFF800  }
0x87: {  	_ =	swait.ge [sflag:s24], $0x80  }
0x88: {  	[sflag:s24] =	ssyncset.done $0x0  }
0x89: {  	[sflag:s24] =	ssyncadd.s32 $0xFFFFFF80  }
0x8a: {  	_ =	swait.ge [sflag:s23], $0x800  }
0x8b: {  	[sflag:s23] =	ssyncset.done $0x0  }
0x8c: {  	[sflag:s23] =	ssyncadd.s32 $0xFFFFF800  }
0x8d: {  	_ =	swait.ge [sflag:s24], $0x80  }
0x8e: {  	[sflag:s24] =	ssyncset.done $0x0  }
0x8f: {  	[sflag:s24] =	ssyncadd.s32 $0xFFFFFF80  }
0x90: {  	_ =	swait.ge [sflag:s23], $0x800  }
0x91: {  	[sflag:s23] =	ssyncset.done $0x0  }
0x92: {  	[sflag:s23] =	ssyncadd.s32 $0xFFFFF800  }
0x93: {  	_ =	swait.ge [sflag:s24], $0x80  }
0x94: {  	[sflag:s24] =	ssyncset.done $0x0  }
0x95: {  	[sflag:s24] =	ssyncadd.s32 $0xFFFFFF80  }
0x96: {  	_ =	swait.ge [sflag:s23], $0x800  }
0x97: {  	[sflag:s23] =	ssyncset.done $0x0  }
0x98: {  	[sflag:s23] =	ssyncadd.s32 $0xFFFFF800  }
0x99: {  	_ =	swait.ge [sflag:s24], $0x80  }
0x9a: {  	[sflag:s24] =	ssyncset.done $0x0  }
0x9b: {  	[sflag:s24] =	ssyncadd.s32 $0xFFFFFF80  }
0x9c: {  	_ =	swait.ge [sflag:s23], $0x800  }
0x9d: {  	[sflag:s23] =	ssyncset.done $0x0  }
0x9e: {  	[sflag:s23] =	ssyncadd.s32 $0xFFFFF800  }
0x9f: {  	_ =	swait.ge [sflag:s24], $0x80  }
0xa0: {  	[sflag:s24] =	ssyncset.done $0x0  }
0xa1: {  	[sflag:s24] =	ssyncadd.s32 $0xFFFFFF80  }
0xa2: {  	[hbm4b:s8+s2] =	stream.linear.scatter [tilespmem:s11], [sflag:$0x3], $0x4000, $0x38;
	[tilespmem:$0x7800] =	vst v63  }
0xa3: {  	_ =	swait.ge [sflag:s9], $0x4000  }
0xa4: {  	[sflag:s9] =	ssyncset.done $0x0  }
0xa5: {  	[sflag:s9] =	ssyncadd.s32 $0xFFFFC000  }
0xa6: {  	[hbm4b:s5+s2] =	stream.linear.scatter [tilespmem:s12], [sflag:$0x3], $0x400, $0x38;
	[tilespmem:$0x7800] =	vst v63  }
0xa7: {  	s31 =	simm.s32 $0x2000;
	s26 =	sadd.s32 $0x80, s5;
	_ =	swait.ge [sflag:s9], $0x400  }
0xa8: {  	s28 =	sadd.s32 $0x800, s8;
	s29 =	simm.s32 $0x1000;
	[sflag:s9] =	ssyncset.done $0x0  }
.LBB2_4:
0xa9: {  	s1 =	sshra.s32 s29, $0x2;
	[sflag:s9] =	ssyncadd.s32 $0xFFFFFC00  }
0xaa: {  	[tilespmem:s11], [sflag:$0x1] =	stream.indirect.gather [hbm4b:s3+s10], $0x10, s1, s10, $0xb8;
	[tilespmem:$0x7800] =	vst v63  }
0xab: {  	s29 =	smov.u32 s31;
	s30 =	sadd.s32 $0x1000, s31  }
0xac: {  	[tilespmem:s12], [sflag:$0x2] =	stream.indirect.gather [hbm4b:s4+s10], $0x1, s1, s10, $0xb8;
	[tilespmem:$0x7800] =	vst v63  }
0xad: {  	p0 =	sne.s32 s31, $0xC000;
	s31 =	rddreg [dreg:$0x2];
	s0 =	sadd.s32 $0x80, s1  }
0xae: {  	[tilespmem:s31], [sflag:$0x1] =	stream.indirect.gather [hbm4b:s3+s10], $0x10, s0, s10, $0xb8;
	[tilespmem:$0x7800] =	vst v63  }
0xaf: {  	s6 =	rddreg [dreg:$0x3]  }
0xb0: {  	[tilespmem:s6], [sflag:$0x2] =	stream.indirect.gather [hbm4b:s4+s10], $0x1, s0, s10, $0xb8;
	[tilespmem:$0x7800] =	vst v63  }
0xb1: {  	s31 =	rddreg [dreg:$0x4];
	s0 =	sadd.s32 $0x100, s1  }
0xb2: {  	[tilespmem:s31], [sflag:$0x1] =	stream.indirect.gather [hbm4b:s3+s10], $0x10, s0, s10, $0xb8;
	[tilespmem:$0x7800] =	vst v63  }
0xb3: {  	s6 =	rddreg [dreg:$0x5]  }
0xb4: {  	[tilespmem:s6], [sflag:$0x2] =	stream.indirect.gather [hbm4b:s4+s10], $0x1, s0, s10, $0xb8;
	[tilespmem:$0x7800] =	vst v63  }
0xb5: {  	s6 =	sadd.s32 $0x180, s1  }
0xb6: {  	[tilespmem:s13], [sflag:$0x1] =	stream.indirect.gather [hbm4b:s3+s10], $0x10, s6, s10, $0xb8;
	[tilespmem:$0x7800] =	vst v63  }
0xb7: {  	_ = 	snop  }
0xb8: {  	[tilespmem:s14], [sflag:$0x2] =	stream.indirect.gather [hbm4b:s4+s10], $0x1, s6, s10, $0xb8;
	[tilespmem:$0x7800] =	vst v63  }
0xb9: {  	s6 =	sadd.s32 $0x200, s1  }
0xba: {  	[tilespmem:s15], [sflag:$0x1] =	stream.indirect.gather [hbm4b:s3+s10], $0x10, s6, s10, $0xb8;
	[tilespmem:$0x7800] =	vst v63  }
0xbb: {  	_ = 	snop  }
0xbc: {  	[tilespmem:s16], [sflag:$0x2] =	stream.indirect.gather [hbm4b:s4+s10], $0x1, s6, s10, $0xb8;
	[tilespmem:$0x7800] =	vst v63  }
0xbd: {  	s6 =	sadd.s32 $0x280, s1  }
0xbe: {  	[tilespmem:s17], [sflag:$0x1] =	stream.indirect.gather [hbm4b:s3+s10], $0x10, s6, s10, $0xb8;
	[tilespmem:$0x7800] =	vst v63  }
0xbf: {  	_ = 	snop  }
0xc0: {  	[tilespmem:s18], [sflag:$0x2] =	stream.indirect.gather [hbm4b:s4+s10], $0x1, s6, s10, $0xb8;
	[tilespmem:$0x7800] =	vst v63  }
0xc1: {  	s6 =	sadd.s32 $0x300, s1  }
0xc2: {  	[tilespmem:s19], [sflag:$0x1] =	stream.indirect.gather [hbm4b:s3+s10], $0x10, s6, s10, $0xb8;
	[tilespmem:$0x7800] =	vst v63  }
0xc3: {  	_ = 	snop  }
0xc4: {  	[tilespmem:s20], [sflag:$0x2] =	stream.indirect.gather [hbm4b:s4+s10], $0x1, s6, s10, $0xb8;
	[tilespmem:$0x7800] =	vst v63  }
0xc5: {  	s6 =	sadd.s32 $0x380, s1  }
0xc6: {  	[tilespmem:s21], [sflag:$0x1] =	stream.indirect.gather [hbm4b:s3+s10], $0x10, s6, s10, $0xb8;
	[tilespmem:$0x7800] =	vst v63  }
0xc7: {  	_ = 	snop  }
0xc8: {  	[tilespmem:s22], [sflag:$0x2] =	stream.indirect.gather [hbm4b:s4+s10], $0x1, s6, s10, $0xb8;
	[tilespmem:$0x7800] =	vst v63  }
0xc9: {  	_ =	swait.ge [sflag:s23], $0x800  }
0xca: {  	[sflag:s23] =	ssyncset.done $0x0  }
0xcb: {  	[sflag:s23] =	ssyncadd.s32 $0xFFFFF800  }
0xcc: {  	_ =	swait.ge [sflag:s24], $0x80  }
0xcd: {  	[sflag:s24] =	ssyncset.done $0x0  }
0xce: {  	[sflag:s24] =	ssyncadd.s32 $0xFFFFFF80  }
0xcf: {  	_ =	swait.ge [sflag:s23], $0x800  }
0xd0: {  	[sflag:s23] =	ssyncset.done $0x0  }
0xd1: {  	[sflag:s23] =	ssyncadd.s32 $0xFFFFF800  }
0xd2: {  	_ =	swait.ge [sflag:s24], $0x80  }
0xd3: {  	[sflag:s24] =	ssyncset.done $0x0  }
0xd4: {  	[sflag:s24] =	ssyncadd.s32 $0xFFFFFF80  }
0xd5: {  	_ =	swait.ge [sflag:s23], $0x800  }
0xd6: {  	[sflag:s23] =	ssyncset.done $0x0  }
0xd7: {  	[sflag:s23] =	ssyncadd.s32 $0xFFFFF800  }
0xd8: {  	_ =	swait.ge [sflag:s24], $0x80  }
0xd9: {  	[sflag:s24] =	ssyncset.done $0x0  }
0xda: {  	[sflag:s24] =	ssyncadd.s32 $0xFFFFFF80  }
0xdb: {  	_ =	swait.ge [sflag:s23], $0x800  }
0xdc: {  	[sflag:s23] =	ssyncset.done $0x0  }
0xdd: {  	[sflag:s23] =	ssyncadd.s32 $0xFFFFF800  }
0xde: {  	_ =	swait.ge [sflag:s24], $0x80  }
0xdf: {  	[sflag:s24] =	ssyncset.done $0x0  }
0xe0: {  	[sflag:s24] =	ssyncadd.s32 $0xFFFFFF80  }
0xe1: {  	_ =	swait.ge [sflag:s23], $0x800  }
0xe2: {  	[sflag:s23] =	ssyncset.done $0x0  }
0xe3: {  	[sflag:s23] =	ssyncadd.s32 $0xFFFFF800  }
0xe4: {  	_ =	swait.ge [sflag:s24], $0x80  }
0xe5: {  	[sflag:s24] =	ssyncset.done $0x0  }
0xe6: {  	[sflag:s24] =	ssyncadd.s32 $0xFFFFFF80  }
0xe7: {  	_ =	swait.ge [sflag:s23], $0x800  }
0xe8: {  	[sflag:s23] =	ssyncset.done $0x0  }
0xe9: {  	[sflag:s23] =	ssyncadd.s32 $0xFFFFF800  }
0xea: {  	_ =	swait.ge [sflag:s24], $0x80  }
0xeb: {  	[sflag:s24] =	ssyncset.done $0x0  }
0xec: {  	[sflag:s24] =	ssyncadd.s32 $0xFFFFFF80  }
0xed: {  	_ =	swait.ge [sflag:s23], $0x800  }
0xee: {  	[sflag:s23] =	ssyncset.done $0x0  }
0xef: {  	[sflag:s23] =	ssyncadd.s32 $0xFFFFF800  }
0xf0: {  	_ =	swait.ge [sflag:s24], $0x80  }
0xf1: {  	[sflag:s24] =	ssyncset.done $0x0  }
0xf2: {  	[sflag:s24] =	ssyncadd.s32 $0xFFFFFF80  }
0xf3: {  	_ =	swait.ge [sflag:s23], $0x800  }
0xf4: {  	[sflag:s23] =	ssyncset.done $0x0  }
0xf5: {  	[sflag:s23] =	ssyncadd.s32 $0xFFFFF800  }
0xf6: {  	_ =	swait.ge [sflag:s24], $0x80  }
0xf7: {  	[sflag:s24] =	ssyncset.done $0x0  }
0xf8: {  	[sflag:s24] =	ssyncadd.s32 $0xFFFFFF80  }
0xf9: {  	[hbm4b:s28+s2] =	stream.linear.scatter [tilespmem:s11], [sflag:$0x3], $0x4000, $0x38;
	[tilespmem:$0x7800] =	vst v63  }
0xfa: {  	_ =	swait.ge [sflag:s9], $0x4000  }
.Ltmp1:
0xfb: {  	[sflag:s9] =	ssyncset.done $0x0;
	(pc) =	sbr.rel @p0 .LBB2_4-.Ltmp1, $4  }
0xfc: {  	[sflag:s9] =	ssyncadd.s32 $0xFFFFC000  }
0xfd: {  	[hbm4b:s26+s2] =	stream.linear.scatter [tilespmem:s12], [sflag:$0x3], $0x400, $0x38;
	[tilespmem:$0x7800] =	vst v63  }
0xfe: {  	s31 =	smov.u32 s30;
	_ =	swait.ge [sflag:s9], $0x400  }
0xff: {  	s28 =	sadd.s32 $0x800, s28;
	s26 =	sadd.s32 $0x80, s26;
	[sflag:s9] =	ssyncset.done $0x0  }
0x100: {  	s0 =	sshra.s32 s29, $0x2;
	[sflag:s9] =	ssyncadd.s32 $0xFFFFFC00  }
0x101: {  	[tilespmem:s11], [sflag:$0x1] =	stream.indirect.gather [hbm4b:s3+s10], $0x10, s0, s10, $0xb8;
	[tilespmem:$0x7800] =	vst v63  }
0x102: {  	_ = 	snop  }
0x103: {  	[tilespmem:s12], [sflag:$0x2] =	stream.indirect.gather [hbm4b:s4+s10], $0x1, s0, s10, $0xb8;
	[tilespmem:$0x7800] =	vst v63  }
0x104: {  	s1 =	rddreg [dreg:$0x2];
	s6 =	sadd.s32 $0x80, s0  }
0x105: {  	[tilespmem:s1], [sflag:$0x1] =	stream.indirect.gather [hbm4b:s3+s10], $0x10, s6, s10, $0xb8;
	[tilespmem:$0x7800] =	vst v63  }
0x106: {  	s31 =	rddreg [dreg:$0x3]  }
0x107: {  	[tilespmem:s31], [sflag:$0x2] =	stream.indirect.gather [hbm4b:s4+s10], $0x1, s6, s10, $0xb8;
	[tilespmem:$0x7800] =	vst v63  }
0x108: {  	s30 =	sadd.s32 $0x100, s0;
	s1 =	rddreg [dreg:$0x4]  }
0x109: {  	[tilespmem:s1], [sflag:$0x1] =	stream.indirect.gather [hbm4b:s3+s10], $0x10, s30, s10, $0xb8;
	[tilespmem:$0x7800] =	vst v63  }
0x10a: {  	s31 =	rddreg [dreg:$0x5]  }
0x10b: {  	[tilespmem:s31], [sflag:$0x2] =	stream.indirect.gather [hbm4b:s4+s10], $0x1, s30, s10, $0xb8;
	[tilespmem:$0x7800] =	vst v63  }
0x10c: {  	s6 =	sadd.s32 $0x180, s0  }
0x10d: {  	[tilespmem:s13], [sflag:$0x1] =	stream.indirect.gather [hbm4b:s3+s10], $0x10, s6, s10, $0xb8;
	[tilespmem:$0x7800] =	vst v63  }
0x10e: {  	_ = 	snop  }
0x10f: {  	[tilespmem:s14], [sflag:$0x2] =	stream.indirect.gather [hbm4b:s4+s10], $0x1, s6, s10, $0xb8;
	[tilespmem:$0x7800] =	vst v63  }
0x110: {  	s29 =	sadd.s32 $0x200, s0  }
0x111: {  	[tilespmem:s15], [sflag:$0x1] =	stream.indirect.gather [hbm4b:s3+s10], $0x10, s29, s10, $0xb8;
	[tilespmem:$0x7800] =	vst v63  }
0x112: {  	_ = 	snop  }
0x113: {  	[tilespmem:s16], [sflag:$0x2] =	stream.indirect.gather [hbm4b:s4+s10], $0x1, s29, s10, $0xb8;
	[tilespmem:$0x7800] =	vst v63  }
0x114: {  	s30 =	sadd.s32 $0x280, s0  }
0x115: {  	[tilespmem:s17], [sflag:$0x1] =	stream.indirect.gather [hbm4b:s3+s10], $0x10, s30, s10, $0xb8;
	[tilespmem:$0x7800] =	vst v63  }
0x116: {  	_ = 	snop  }
0x117: {  	[tilespmem:s18], [sflag:$0x2] =	stream.indirect.gather [hbm4b:s4+s10], $0x1, s30, s10, $0xb8;
	[tilespmem:$0x7800] =	vst v63  }
0x118: {  	s31 =	sadd.s32 $0x300, s0  }
0x119: {  	[tilespmem:s19], [sflag:$0x1] =	stream.indirect.gather [hbm4b:s3+s10], $0x10, s31, s10, $0xb8;
	[tilespmem:$0x7800] =	vst v63  }
0x11a: {  	_ = 	snop  }
0x11b: {  	[tilespmem:s20], [sflag:$0x2] =	stream.indirect.gather [hbm4b:s4+s10], $0x1, s31, s10, $0xb8;
	[tilespmem:$0x7800] =	vst v63  }
0x11c: {  	s0 =	sadd.s32 $0x380, s0  }
0x11d: {  	[tilespmem:s21], [sflag:$0x1] =	stream.indirect.gather [hbm4b:s3+s10], $0x10, s0, s10, $0xb8;
	[tilespmem:$0x7800] =	vst v63  }
0x11e: {  	_ = 	snop  }
0x11f: {  	[tilespmem:s22], [sflag:$0x2] =	stream.indirect.gather [hbm4b:s4+s10], $0x1, s0, s10, $0xb8;
	[tilespmem:$0x7800] =	vst v63  }
0x120: {  	_ =	swait.ge [sflag:s23], $0x800  }
0x121: {  	[sflag:s23] =	ssyncset.done $0x0  }
0x122: {  	[sflag:s23] =	ssyncadd.s32 $0xFFFFF800  }
0x123: {  	_ =	swait.ge [sflag:s24], $0x80  }
0x124: {  	[sflag:s24] =	ssyncset.done $0x0  }
0x125: {  	[sflag:s24] =	ssyncadd.s32 $0xFFFFFF80  }
0x126: {  	_ =	swait.ge [sflag:s23], $0x800  }
0x127: {  	[sflag:s23] =	ssyncset.done $0x0  }
0x128: {  	[sflag:s23] =	ssyncadd.s32 $0xFFFFF800  }
0x129: {  	_ =	swait.ge [sflag:s24], $0x80  }
0x12a: {  	[sflag:s24] =	ssyncset.done $0x0  }
0x12b: {  	[sflag:s24] =	ssyncadd.s32 $0xFFFFFF80  }
0x12c: {  	_ =	swait.ge [sflag:s23], $0x800  }
0x12d: {  	[sflag:s23] =	ssyncset.done $0x0  }
0x12e: {  	[sflag:s23] =	ssyncadd.s32 $0xFFFFF800  }
0x12f: {  	_ =	swait.ge [sflag:s24], $0x80  }
0x130: {  	[sflag:s24] =	ssyncset.done $0x0  }
0x131: {  	[sflag:s24] =	ssyncadd.s32 $0xFFFFFF80  }
0x132: {  	_ =	swait.ge [sflag:s23], $0x800  }
0x133: {  	[sflag:s23] =	ssyncset.done $0x0  }
0x134: {  	[sflag:s23] =	ssyncadd.s32 $0xFFFFF800  }
0x135: {  	_ =	swait.ge [sflag:s24], $0x80  }
0x136: {  	[sflag:s24] =	ssyncset.done $0x0  }
0x137: {  	[sflag:s24] =	ssyncadd.s32 $0xFFFFFF80  }
0x138: {  	_ =	swait.ge [sflag:s23], $0x800  }
0x139: {  	[sflag:s23] =	ssyncset.done $0x0  }
0x13a: {  	[sflag:s23] =	ssyncadd.s32 $0xFFFFF800  }
0x13b: {  	_ =	swait.ge [sflag:s24], $0x80  }
0x13c: {  	[sflag:s24] =	ssyncset.done $0x0  }
0x13d: {  	[sflag:s24] =	ssyncadd.s32 $0xFFFFFF80  }
0x13e: {  	_ =	swait.ge [sflag:s23], $0x800  }
0x13f: {  	[sflag:s23] =	ssyncset.done $0x0  }
0x140: {  	[sflag:s23] =	ssyncadd.s32 $0xFFFFF800  }
0x141: {  	_ =	swait.ge [sflag:s24], $0x80  }
0x142: {  	[sflag:s24] =	ssyncset.done $0x0  }
0x143: {  	[sflag:s24] =	ssyncadd.s32 $0xFFFFFF80  }
0x144: {  	_ =	swait.ge [sflag:s23], $0x800  }
0x145: {  	[sflag:s23] =	ssyncset.done $0x0  }
0x146: {  	[sflag:s23] =	ssyncadd.s32 $0xFFFFF800  }
0x147: {  	_ =	swait.ge [sflag:s24], $0x80  }
0x148: {  	[sflag:s24] =	ssyncset.done $0x0  }
0x149: {  	[sflag:s24] =	ssyncadd.s32 $0xFFFFFF80  }
0x14a: {  	_ =	swait.ge [sflag:s23], $0x800  }
0x14b: {  	[sflag:s23] =	ssyncset.done $0x0  }
0x14c: {  	[sflag:s23] =	ssyncadd.s32 $0xFFFFF800  }
0x14d: {  	_ =	swait.ge [sflag:s24], $0x80  }
0x14e: {  	[sflag:s24] =	ssyncset.done $0x0  }
0x14f: {  	[sflag:s24] =	ssyncadd.s32 $0xFFFFFF80  }
0x150: {  	[hbm4b:s28+s2] =	stream.linear.scatter [tilespmem:s11], [sflag:$0x3], $0x4000, $0x38;
	[tilespmem:$0x7800] =	vst v63  }
0x151: {  	s25 =	sadd.s32 $0x1, s25;
	_ =	swait.ge [sflag:s9], $0x4000  }
0x152: {  	p0 =	sne.s32 s25, s7;
	[sflag:s9] =	ssyncset.done $0x0  }
.Ltmp2:
0x153: {  	[sflag:s9] =	ssyncadd.s32 $0xFFFFC000;
	(pc) =	sbr.rel @p0 .LBB2_1-.Ltmp2, $4  }
0x154: {  	[hbm4b:s26+s2] =	stream.linear.scatter [tilespmem:s12], [sflag:$0x3], $0x400, $0x38;
	[tilespmem:$0x7800] =	vst v63  }
0x155: {  	_ =	swait.ge [sflag:s9], $0x400  }
0x156: {  	[sflag:s9] =	ssyncset.done $0x0  }
0x157: {  	[sflag:s9] =	ssyncadd.s32 $0xFFFFFC00  }
0x158: {  	_ =	sfence.sel $0x180000  }
0x159: {  	[bflag:$0x0] =	sbarrier.arrive $0xFFFF  }
0x15a: {  	_ =	strace $0x90000047  }
0x15b: {  	s0 =	stileid.u32;
	[bflag:$0x2] =	sbarrier.arrive $0xFFFF  }
0x15c: {  	p0 =	sne.s32 s0, $0x0;
	s0 =	rddreg [dreg:$0x1]  }
0x15d: {  	s0 =	sadd.s32 @!p0 $0x100000, s0  }
0x15e: {  	[sflag:s0] =	ssyncadd.tile.s32 @!p0 $0x1;
	_ =	shalt  }
.Lfunc_end2:
_tile_overlayer_lowered:
.L_overlay_start_2:
0x15f: {  	(tag) =	ssettag $0x2  }
0x160: {  	s0 =	rddreg [dreg:$0x0];
	s2 =	stileid.u32  }
0x161: {  	s1 =	rddreg [dreg:$0x1];
	p0 =	sne.s32 s2, $0x0  }
0x162: {  	s3 =	rddreg [dreg:$0x2];
	[bflag:$0x3] =	sbarrier.arrive $0xFFFF;
	s2 =	simm.s32 @!p0 $0x1C03  }
0x163: {  	[timem:s3], [sflag:s2] =	dma.local @!p0 [hbm:s0], s1  }
0x164: {  	s0 =	simm.s32 @!p0 $0x3  }
0x165: {  	_ =	swait.ge @!p0 [sflag:s0], s1  }
0x166: {  	s1 =	ssub.s32 @!p0 $0x0, s1;
	[sflag:s0] =	ssyncset.done @!p0 $0x0  }
0x167: {  	[sflag:s0] =	ssyncadd.s32 @!p0 s1  }
0x168: {  	[bflag:$0x3] =	sbarrier.arrive $0xFFFF  }
0x169: {  	_ =	shalt  }

</sc_bundles>
